<compile_context>
chip_gen: v7x
topology: tpu7x:2x2x1
jax: 0.10.2.dev20260603
libtpu: 0.0.44.dev20260713+nightly
codegen_flags: <defaults>
</compile_context>

<pallas_src>
import functools

import numpy as np

import jax
import jax.numpy as jnp
from jax import lax
from jax.experimental import pallas as pl
from jax.experimental.pallas import tpu as pltpu
from jax.experimental.pallas import tpu_sc as plsc

N = 10000
E = 320000
D = 128
NC = 2
NS = 16
NW = NC * NS
CHUNK = 112
G = 6
NG = 15
CH = NG * G
EPT = CH * CHUNK
E_PAD = NW * EPT
AR = 10112
RPT = AR // NS
TAIL = N - (NS - 1) * RPT

@functools.cache
def _sc_aggregate_fn():
    mesh = plsc.VectorSubcoreMesh(core_axis_name="c", subcore_axis_name="s")

    @functools.partial(
        pl.kernel,
        mesh=mesh,
        out_type=(jax.ShapeDtypeStruct((AR, D), jnp.float32),
                  jax.ShapeDtypeStruct((AR, D), jnp.float32)),
        scratch_types=[
            pltpu.VMEM((2, G, CHUNK), jnp.int32),
            pltpu.VMEM((2, G, CHUNK), jnp.int32),
            pltpu.VMEM((CHUNK, D), jnp.float32),
            pltpu.VMEM((CHUNK, D), jnp.float32),
            pltpu.VMEM((CHUNK, D), jnp.float32),
            pltpu.VMEM_SHARED((AR, D), jnp.float32),
            pltpu.SemaphoreType.DMA,
            pltpu.SemaphoreType.DMA,
            pltpu.SemaphoreType.DMA,
            pltpu.SemaphoreType.DMA,
            pltpu.SemaphoreType.DMA,
            pltpu.SemaphoreType.DMA,
            pltpu.SemaphoreType.DMA,
            pltpu.SemaphoreType.DMA,
        ],
    )
    def _sc_aggregate(table_hbm, ei_hbm, zeros_hbm, out0_hbm, out1_hbm,
                      src_idx, dst_idx, rows0, rows1, rows2, acc,
                      gsem0, gsem1, gsem2, ssem0, ssem1, ssem2,
                      isem_s, isem_d):
        c = lax.axis_index("c")
        s = lax.axis_index("s")
        wid = c * NS + s
        base = s * RPT

        pltpu.sync_copy(ei_hbm.at[0, wid, 0], src_idx.at[0])
        pltpu.sync_copy(ei_hbm.at[1, wid, 0], dst_idx.at[0])
        pltpu.async_copy(table_hbm.at[src_idx.at[0, 0]], rows0, gsem0)
        pltpu.async_copy(table_hbm.at[src_idx.at[0, 1]], rows1, gsem1)

        @pl.when(jnp.logical_and(c == 0, s < NS - 1))
        def _():
            pltpu.sync_copy(table_hbm.at[pl.ds(base, RPT)],
                            acc.at[pl.ds(base, RPT)])

        @pl.when(jnp.logical_and(c == 0, s == NS - 1))
        def _():
            pltpu.sync_copy(table_hbm.at[pl.ds(base, TAIL)],
                            acc.at[pl.ds(base, TAIL)])
            pltpu.sync_copy(zeros_hbm.at[pl.ds(0, RPT - TAIL)],
                            acc.at[pl.ds(base + TAIL, RPT - TAIL)])

        @pl.when(c == 1)
        def _():
            pltpu.sync_copy(zeros_hbm, acc.at[pl.ds(base, RPT)])

        plsc.subcore_barrier()

        RB = (rows0, rows1, rows2)
        GS = (gsem0, gsem1, gsem2)
        SS = (ssem0, ssem1, ssem2)

        def outer(g, carry):
            pg = g % 2
            png = (g + 1) % 2

            @pl.when(g + 1 < NG)
            def _():
                pltpu.async_copy(ei_hbm.at[0, wid, g + 1], src_idx.at[png],
                                 isem_s)
                pltpu.async_copy(ei_hbm.at[1, wid, g + 1], dst_idx.at[png],
                                 isem_d)

            for k in range(G):
                b = k % 3
                bp = (k + 2) % 3
                pltpu.make_async_copy(
                    table_hbm.at[src_idx.at[pg, k]], RB[b], GS[b]).wait()
                pltpu.async_copy(RB[b], acc.at[dst_idx.at[pg, k]], SS[b],
                                 add=True)

                def _wait_prev(bp=bp):
                    pltpu.make_async_copy(
                        RB[bp], acc.at[dst_idx.at[0, 0]], SS[bp]).wait()

                if k == 0:
                    @pl.when(g == 0)
                    def _():
                        pltpu.async_copy(
                            table_hbm.at[src_idx.at[pg, 2]], RB[bp], GS[bp])

                    @pl.when(g > 0)
                    def _():
                        _wait_prev()
                        pltpu.async_copy(
                            table_hbm.at[src_idx.at[pg, 2]], RB[bp], GS[bp])
                elif k <= G - 3:
                    _wait_prev()
                    pltpu.async_copy(
                        table_hbm.at[src_idx.at[pg, k + 2]], RB[bp], GS[bp])
                else:
                    _wait_prev()

                    @pl.when(g + 1 < NG)
                    def _(k=k, bp=bp, png=png):
                        if k == G - 2:
                            pltpu.make_async_copy(
                                ei_hbm.at[0, wid, g + 1], src_idx.at[png],
                                isem_s).wait()
                            pltpu.make_async_copy(
                                ei_hbm.at[1, wid, g + 1], dst_idx.at[png],
                                isem_d).wait()
                        pltpu.async_copy(
                            table_hbm.at[src_idx.at[png, k - (G - 2)]],
                            RB[bp], GS[bp])

            return carry

        lax.fori_loop(0, NG, outer, 0)
        pltpu.make_async_copy(RB[(CH - 1) % 3], acc.at[dst_idx.at[0, 0]],
                              SS[(CH - 1) % 3]).wait()
        plsc.subcore_barrier()

        @pl.when(c == 0)
        def _():
            pltpu.sync_copy(acc.at[pl.ds(base, RPT)],
                            out0_hbm.at[pl.ds(base, RPT)])

        @pl.when(c == 1)
        def _():
            pltpu.sync_copy(acc.at[pl.ds(base, RPT)],
                            out1_hbm.at[pl.ds(base, RPT)])

    return _sc_aggregate


def _tc_mlp_bn(p0_ref, p1_ref, wa_ref, ba_ref, wb_ref, bb_ref, g_ref, be_ref,
               out_ref):
    h = p0_ref[...][:N] + p1_ref[...][:N]
    h = jnp.maximum(jnp.dot(h, wa_ref[...],
                            preferred_element_type=jnp.float32) + ba_ref[...], 0.0)
    h = jnp.dot(h, wb_ref[...], preferred_element_type=jnp.float32) + bb_ref[...]
    h = jnp.maximum(h, 0.0)
    mean = jnp.mean(h, axis=0, keepdims=True)
    ctr = h - mean
    var = jnp.mean(ctr * ctr, axis=0, keepdims=True)
    out_ref[...] = ctr * lax.rsqrt(var + 1e-5) * g_ref[...] + be_ref[...]


_tc_call = pl.pallas_call(
    _tc_mlp_bn,
    out_shape=jax.ShapeDtypeStruct((N, D), jnp.float32),
)


def _tc_mlp_bn_narrow(p0_ref, p1_ref, wa_ref, ba_ref, wb_ref, bb_ref, g_ref,
                      be_ref, out_ref):
    h = p0_ref[...][:N] + p1_ref[...][:N]
    h = jnp.maximum(jnp.dot(h, wa_ref[...],
                            preferred_element_type=jnp.float32) + ba_ref[...], 0.0)
    h = jnp.dot(h, wb_ref[...], preferred_element_type=jnp.float32) + bb_ref[...]
    h = jnp.maximum(h, 0.0)
    mean = jnp.mean(h, axis=0, keepdims=True)
    ctr = h - mean
    var = jnp.mean(ctr * ctr, axis=0, keepdims=True)
    out = ctr * lax.rsqrt(var + 1e-5) * g_ref[...] + be_ref[...]
    out_ref[...] = out[:, : out_ref.shape[1]]


_tc_call2 = pl.pallas_call(
    _tc_mlp_bn_narrow,
    out_shape=jax.ShapeDtypeStruct((N, 2), jnp.float32),
)


_PAD_EI = np.stack([np.arange(E_PAD - E, dtype=np.int32) % N,
                    N + np.arange(E_PAD - E, dtype=np.int32) % (AR - N)])
_ZEROS = np.zeros((RPT, D), np.float32)


def kernel(x_in, edge_index_in, W1, b1, W2, b2, W3, b3, W4, b4, g1, be1, g5, be5):
    ei5 = jnp.concatenate([edge_index_in, jnp.asarray(_PAD_EI)],
                          axis=1).reshape(2, NW, NG, G, CHUNK)
    zeros = jnp.asarray(_ZEROS)

    sc_agg = _sc_aggregate_fn()
    p0, p1 = sc_agg(x_in, ei5, zeros)
    hid = _tc_call(p0, p1,
                   W1.T, b1[None, :], W2.T, b2[None, :],
                   g1[None, :], be1[None, :])

    q0, q1 = sc_agg(hid, ei5, zeros)
    W4p = jnp.pad(W4, ((0, D - W4.shape[0]), (0, 0)))
    b4p = jnp.pad(b4, (0, D - b4.shape[0]))
    g5p = jnp.pad(g5, (0, D - g5.shape[0]))
    be5p = jnp.pad(be5, (0, D - be5.shape[0]))
    h2 = _tc_call2(q0, q1,
                   W3.T, b3[None, :], W4p.T, b4p[None, :],
                   g5p[None, :], be5p[None, :])
    return (h2, hid)

# --- scband reference (transcript-rebuilt; emitter-appended) ---
"""Pipeline reference for scband-gin-node-weight-encoder-11759620456599 (READ-ONLY COPY).

The authoritative reference and input builder live on the scoring server;
editing this copy changes nothing except your own understanding.
"""

import jax, jax.numpy as jnp
import numpy as np

N = 10000
E = 320000
F_IN = 128
DIM = 128
OUT = 2


def setup_inputs(seed: int = 0) -> dict:
    key = jax.random.key(seed)
    ks = jax.random.split(key, 16)
    x_in = jax.random.normal(ks[0], (N, F_IN), dtype=jnp.float32)
    edge_index_in = jax.random.randint(ks[1], (2, E), 0, N, dtype=jnp.int32)
    # params_linear: 4 LinearCustom param sets (weight [out,in], bias [out]) in torch convention
    W1 = jax.random.normal(ks[2], (DIM, F_IN), dtype=jnp.float32) * 0.05
    b1 = jax.random.normal(ks[3], (DIM,), dtype=jnp.float32) * 0.05
    W2 = jax.random.normal(ks[4], (DIM, DIM), dtype=jnp.float32) * 0.05
    b2 = jax.random.normal(ks[5], (DIM,), dtype=jnp.float32) * 0.05
    W3 = jax.random.normal(ks[6], (DIM, DIM), dtype=jnp.float32) * 0.05
    b3 = jax.random.normal(ks[7], (DIM,), dtype=jnp.float32) * 0.05
    W4 = jax.random.normal(ks[8], (OUT, DIM), dtype=jnp.float32) * 0.05
    b4 = jax.random.normal(ks[9], (OUT,), dtype=jnp.float32) * 0.05
    # BatchNorm learned affine params (fresh module: gamma=1, beta=0)
    g1 = jnp.ones((DIM,), dtype=jnp.float32)
    be1 = jnp.zeros((DIM,), dtype=jnp.float32)
    g5 = jnp.ones((OUT,), dtype=jnp.float32)
    be5 = jnp.zeros((OUT,), dtype=jnp.float32)
    return {"x_in": x_in, "edge_index_in": edge_index_in, "W1": W1, "b1": b1, "W2": W2, "b2": b2, "W3": W3, "b3": b3, "W4": W4, "b4": b4, "g1": g1, "be1": be1, "g5": g5, "be5": be5}


def _batchnorm(x, gamma, beta, eps=1e-5):
    # torch BatchNorm1d in training mode: normalize with batch statistics (biased var)
    mean = jnp.mean(x, axis=0)
    var = jnp.var(x, axis=0)
    return (x - mean) / jnp.sqrt(var + eps) * gamma + beta


def _gin_conv(x, src, dst, Wa, ba, Wb, bb):
    # GINConv with eps=0: h = MLP((1+eps)*x + sum_{j in N(i)} x_j)
    agg = jnp.zeros_like(x).at[dst].add(x[src])
    h = x + agg
    h = h @ Wa.T + ba
    h = jax.nn.relu(h)
    h = h @ Wb.T + bb
    return h


def reference(x_in, edge_index_in, W1, b1, W2, b2, W3, b3, W4, b4, g1, be1, g5, be5):
    src = edge_index_in[0]
    dst = edge_index_in[1]
    h = jax.nn.relu(_gin_conv(x_in, src, dst, W1, b1, W2, b2))
    h = _batchnorm(h, g1, be1)
    hid_x_rep = h
    h2 = jax.nn.relu(_gin_conv(h, src, dst, W3, b3, W4, b4))
    h2 = _batchnorm(h2, g5, be5)
    return (h2, hid_x_rep)

if __name__ == "__main__":
    import jax
    _d = setup_inputs()
    print(jax.jit(kernel)(*tuple(_d.values())))

</pallas_src>

<mosaic_0001>
#map = affine_map<(d0, d1) -> (0, 0)>
#map1 = affine_map<(d0, d1) -> (0, 0, 0, 0, 0)>
module attributes {stable_mosaic.version = 14 : i64} {
  func.func @_sc_aggregate(%arg0: i32, %arg1: i32, %arg2: memref<10000x128xf32, #tpu.memory_space<hbm>>, %arg3: memref<2x32x15x6x112xi32, #tpu.memory_space<hbm>>, %arg4: memref<632x128xf32, #tpu.memory_space<hbm>>, %arg5: memref<10112x128xf32, #tpu.memory_space<hbm>>, %arg6: memref<10112x128xf32, #tpu.memory_space<hbm>>, %arg7: memref<2x6x112xi32, #tpu.memory_space<vmem>>, %arg8: memref<2x6x112xi32, #tpu.memory_space<vmem>>, %arg9: memref<112x128xf32, #tpu.memory_space<vmem>>, %arg10: memref<112x128xf32, #tpu.memory_space<vmem>>, %arg11: memref<112x128xf32, #tpu.memory_space<vmem>>, %arg12: memref<10112x128xf32, #tpu.memory_space<vmem_shared>>, %arg13: memref<!tpu.dma_semaphore, #tpu.memory_space<semaphore_mem>>, %arg14: memref<!tpu.dma_semaphore, #tpu.memory_space<semaphore_mem>>, %arg15: memref<!tpu.dma_semaphore, #tpu.memory_space<semaphore_mem>>, %arg16: memref<!tpu.dma_semaphore, #tpu.memory_space<semaphore_mem>>, %arg17: memref<!tpu.dma_semaphore, #tpu.memory_space<semaphore_mem>>, %arg18: memref<!tpu.dma_semaphore, #tpu.memory_space<semaphore_mem>>, %arg19: memref<!tpu.dma_semaphore, #tpu.memory_space<semaphore_mem>>, %arg20: memref<!tpu.dma_semaphore, #tpu.memory_space<semaphore_mem>>) attributes {dimension_semantics = [#tpu.dimension_semantics<core_parallel>, #tpu.dimension_semantics<subcore_parallel>], iteration_bounds = array<i64: 2, 16>, scalar_prefetch = 0 : i64, scratch_operands = 14 : i64, tpu.core_type = #tpu.core_type<sc_vector_subcore>, window_params = [{transform_indices = #map}, {transform_indices = #map1}, {transform_indices = #map}, {transform_indices = #map}, {transform_indices = #map}]} {
    %mul3A = arith.constant 16 : i32
    %mul3A_0 = arith.muli %arg0, %mul3A : i32
    %add3A = arith.addi %mul3A_0, %arg1 : i32
    %mul3A_1 = arith.constant 632 : i32
    %mul3A_2 = arith.muli %arg1, %mul3A_1 : i32
    %run_scoped3A = arith.constant 0 : i32
    %run_scoped3A_3 = arith.constant 0 : i32
    %run_scoped3A_4 = arith.constant 0 : i32
    "tpu.region"() ({
      %run_scoped3A_62 = tpu.sem_alloc : memref<!tpu.dma_semaphore, #tpu.memory_space<semaphore_mem>>
      %dma_start3A_63 = arith.constant 0 : i32
      %dma_start3A_64 = arith.constant 0 : i32
      %dma_start3A_65 = tpu.memref_slice %arg7[%run_scoped3A_4, %dma_start3A_63, %dma_start3A_64] : memref<2x6x112xi32, #tpu.memory_space<vmem>> -> memref<1x6x112xi32, #tpu.memory_space<vmem>>
      %dma_start3A_66 = tpu.memref_squeeze %dma_start3A_65 : memref<1x6x112xi32, #tpu.memory_space<vmem>> -> memref<6x112xi32, #tpu.memory_space<vmem>>
      %dma_start3A_67 = arith.constant 0 : i32
      %dma_start3A_68 = arith.constant 0 : i32
      %dma_start3A_69 = tpu.memref_slice %arg3[%run_scoped3A, %add3A, %run_scoped3A_3, %dma_start3A_67, %dma_start3A_68] : memref<2x32x15x6x112xi32, #tpu.memory_space<hbm>> -> memref<1x1x1x6x112xi32, #tpu.memory_space<hbm>>
      %dma_start3A_70 = tpu.memref_squeeze %dma_start3A_69 : memref<1x1x1x6x112xi32, #tpu.memory_space<hbm>> -> memref<6x112xi32, #tpu.memory_space<hbm>>
      %dma_start3A_71 = arith.constant 0 : i32
      %dma_start3A_72 = arith.constant 0 : i32
      %dma_start3A_73 = tpu.memref_slice %arg7[%run_scoped3A_4, %dma_start3A_71, %dma_start3A_72] : memref<2x6x112xi32, #tpu.memory_space<vmem>> -> memref<1x6x112xi32, #tpu.memory_space<vmem>>
      %dma_start3A_74 = tpu.memref_squeeze %dma_start3A_73 : memref<1x6x112xi32, #tpu.memory_space<vmem>> -> memref<6x112xi32, #tpu.memory_space<vmem>>
      %dma_start3A_75 = arith.constant 0 : i32
      %dma_start3A_76 = arith.constant 0 : i32
      %dma_start3A_77 = tpu.memref_slice %arg3[%run_scoped3A, %add3A, %run_scoped3A_3, %dma_start3A_75, %dma_start3A_76] : memref<2x32x15x6x112xi32, #tpu.memory_space<hbm>> -> memref<1x1x1x6x112xi32, #tpu.memory_space<hbm>>
      %dma_start3A_78 = tpu.memref_squeeze %dma_start3A_77 : memref<1x1x1x6x112xi32, #tpu.memory_space<hbm>> -> memref<6x112xi32, #tpu.memory_space<hbm>>
      tpu.enqueue_dma source(%dma_start3A_78 : memref<6x112xi32, #tpu.memory_space<hbm>>) target(%dma_start3A_74 : memref<6x112xi32, #tpu.memory_space<vmem>>) target_semaphore(%run_scoped3A_62 : memref<!tpu.dma_semaphore, #tpu.memory_space<semaphore_mem>>)
      %dma_wait3A_79 = arith.constant 0 : i32
      %dma_wait3A_80 = arith.constant 0 : i32
      %dma_wait3A_81 = tpu.memref_slice %arg7[%run_scoped3A_4, %dma_wait3A_79, %dma_wait3A_80] : memref<2x6x112xi32, #tpu.memory_space<vmem>> -> memref<1x6x112xi32, #tpu.memory_space<vmem>>
      %dma_wait3A_82 = tpu.memref_squeeze %dma_wait3A_81 : memref<1x6x112xi32, #tpu.memory_space<vmem>> -> memref<6x112xi32, #tpu.memory_space<vmem>>
      %dma_wait3A_83 = arith.constant 0 : i32
      %dma_wait3A_84 = arith.constant 0 : i32
      %dma_wait3A_85 = tpu.memref_slice %arg3[%run_scoped3A, %add3A, %run_scoped3A_3, %dma_wait3A_83, %dma_wait3A_84] : memref<2x32x15x6x112xi32, #tpu.memory_space<hbm>> -> memref<1x1x1x6x112xi32, #tpu.memory_space<hbm>>
      %dma_wait3A_86 = tpu.memref_squeeze %dma_wait3A_85 : memref<1x1x1x6x112xi32, #tpu.memory_space<hbm>> -> memref<6x112xi32, #tpu.memory_space<hbm>>
      %dma_wait3A_87 = arith.constant 0 : i32
      %dma_wait3A_88 = arith.constant 0 : i32
      %dma_wait3A_89 = tpu.memref_slice %arg7[%run_scoped3A_4, %dma_wait3A_87, %dma_wait3A_88] : memref<2x6x112xi32, #tpu.memory_space<vmem>> -> memref<1x6x112xi32, #tpu.memory_space<vmem>>
      %dma_wait3A_90 = tpu.memref_squeeze %dma_wait3A_89 : memref<1x6x112xi32, #tpu.memory_space<vmem>> -> memref<6x112xi32, #tpu.memory_space<vmem>>
      %dma_wait3A_91 = arith.constant 0 : i32
      %dma_wait3A_92 = arith.constant 0 : i32
      %dma_wait3A_93 = tpu.memref_slice %arg3[%run_scoped3A, %add3A, %run_scoped3A_3, %dma_wait3A_91, %dma_wait3A_92] : memref<2x32x15x6x112xi32, #tpu.memory_space<hbm>> -> memref<1x1x1x6x112xi32, #tpu.memory_space<hbm>>
      %dma_wait3A_94 = tpu.memref_squeeze %dma_wait3A_93 : memref<1x1x1x6x112xi32, #tpu.memory_space<hbm>> -> memref<6x112xi32, #tpu.memory_space<hbm>>
      tpu.wait_dma2 semaphore(%run_scoped3A_62 : memref<!tpu.dma_semaphore, #tpu.memory_space<semaphore_mem>>) src(%dma_wait3A_94 : memref<6x112xi32, #tpu.memory_space<hbm>>) dst(%dma_wait3A_90 : memref<6x112xi32, #tpu.memory_space<vmem>>)
      tpu.yield
    }) : () -> ()
    %run_scoped3A_5 = arith.constant 1 : i32
    %run_scoped3A_6 = arith.constant 0 : i32
    %run_scoped3A_7 = arith.constant 0 : i32
    "tpu.region"() ({
      %run_scoped3A_62 = tpu.sem_alloc : memref<!tpu.dma_semaphore, #tpu.memory_space<semaphore_mem>>
      %dma_start3A_63 = arith.constant 0 : i32
      %dma_start3A_64 = arith.constant 0 : i32
      %dma_start3A_65 = tpu.memref_slice %arg8[%run_scoped3A_7, %dma_start3A_63, %dma_start3A_64] : memref<2x6x112xi32, #tpu.memory_space<vmem>> -> memref<1x6x112xi32, #tpu.memory_space<vmem>>
      %dma_start3A_66 = tpu.memref_squeeze %dma_start3A_65 : memref<1x6x112xi32, #tpu.memory_space<vmem>> -> memref<6x112xi32, #tpu.memory_space<vmem>>
      %dma_start3A_67 = arith.constant 0 : i32
      %dma_start3A_68 = arith.constant 0 : i32
      %dma_start3A_69 = tpu.memref_slice %arg3[%run_scoped3A_5, %add3A, %run_scoped3A_6, %dma_start3A_67, %dma_start3A_68] : memref<2x32x15x6x112xi32, #tpu.memory_space<hbm>> -> memref<1x1x1x6x112xi32, #tpu.memory_space<hbm>>
      %dma_start3A_70 = tpu.memref_squeeze %dma_start3A_69 : memref<1x1x1x6x112xi32, #tpu.memory_space<hbm>> -> memref<6x112xi32, #tpu.memory_space<hbm>>
      %dma_start3A_71 = arith.constant 0 : i32
      %dma_start3A_72 = arith.constant 0 : i32
      %dma_start3A_73 = tpu.memref_slice %arg8[%run_scoped3A_7, %dma_start3A_71, %dma_start3A_72] : memref<2x6x112xi32, #tpu.memory_space<vmem>> -> memref<1x6x112xi32, #tpu.memory_space<vmem>>
      %dma_start3A_74 = tpu.memref_squeeze %dma_start3A_73 : memref<1x6x112xi32, #tpu.memory_space<vmem>> -> memref<6x112xi32, #tpu.memory_space<vmem>>
      %dma_start3A_75 = arith.constant 0 : i32
      %dma_start3A_76 = arith.constant 0 : i32
      %dma_start3A_77 = tpu.memref_slice %arg3[%run_scoped3A_5, %add3A, %run_scoped3A_6, %dma_start3A_75, %dma_start3A_76] : memref<2x32x15x6x112xi32, #tpu.memory_space<hbm>> -> memref<1x1x1x6x112xi32, #tpu.memory_space<hbm>>
      %dma_start3A_78 = tpu.memref_squeeze %dma_start3A_77 : memref<1x1x1x6x112xi32, #tpu.memory_space<hbm>> -> memref<6x112xi32, #tpu.memory_space<hbm>>
      tpu.enqueue_dma source(%dma_start3A_78 : memref<6x112xi32, #tpu.memory_space<hbm>>) target(%dma_start3A_74 : memref<6x112xi32, #tpu.memory_space<vmem>>) target_semaphore(%run_scoped3A_62 : memref<!tpu.dma_semaphore, #tpu.memory_space<semaphore_mem>>)
      %dma_wait3A_79 = arith.constant 0 : i32
      %dma_wait3A_80 = arith.constant 0 : i32
      %dma_wait3A_81 = tpu.memref_slice %arg8[%run_scoped3A_7, %dma_wait3A_79, %dma_wait3A_80] : memref<2x6x112xi32, #tpu.memory_space<vmem>> -> memref<1x6x112xi32, #tpu.memory_space<vmem>>
      %dma_wait3A_82 = tpu.memref_squeeze %dma_wait3A_81 : memref<1x6x112xi32, #tpu.memory_space<vmem>> -> memref<6x112xi32, #tpu.memory_space<vmem>>
      %dma_wait3A_83 = arith.constant 0 : i32
      %dma_wait3A_84 = arith.constant 0 : i32
      %dma_wait3A_85 = tpu.memref_slice %arg3[%run_scoped3A_5, %add3A, %run_scoped3A_6, %dma_wait3A_83, %dma_wait3A_84] : memref<2x32x15x6x112xi32, #tpu.memory_space<hbm>> -> memref<1x1x1x6x112xi32, #tpu.memory_space<hbm>>
      %dma_wait3A_86 = tpu.memref_squeeze %dma_wait3A_85 : memref<1x1x1x6x112xi32, #tpu.memory_space<hbm>> -> memref<6x112xi32, #tpu.memory_space<hbm>>
      %dma_wait3A_87 = arith.constant 0 : i32
      %dma_wait3A_88 = arith.constant 0 : i32
      %dma_wait3A_89 = tpu.memref_slice %arg8[%run_scoped3A_7, %dma_wait3A_87, %dma_wait3A_88] : memref<2x6x112xi32, #tpu.memory_space<vmem>> -> memref<1x6x112xi32, #tpu.memory_space<vmem>>
      %dma_wait3A_90 = tpu.memref_squeeze %dma_wait3A_89 : memref<1x6x112xi32, #tpu.memory_space<vmem>> -> memref<6x112xi32, #tpu.memory_space<vmem>>
      %dma_wait3A_91 = arith.constant 0 : i32
      %dma_wait3A_92 = arith.constant 0 : i32
      %dma_wait3A_93 = tpu.memref_slice %arg3[%run_scoped3A_5, %add3A, %run_scoped3A_6, %dma_wait3A_91, %dma_wait3A_92] : memref<2x32x15x6x112xi32, #tpu.memory_space<hbm>> -> memref<1x1x1x6x112xi32, #tpu.memory_space<hbm>>
      %dma_wait3A_94 = tpu.memref_squeeze %dma_wait3A_93 : memref<1x1x1x6x112xi32, #tpu.memory_space<hbm>> -> memref<6x112xi32, #tpu.memory_space<hbm>>
      tpu.wait_dma2 semaphore(%run_scoped3A_62 : memref<!tpu.dma_semaphore, #tpu.memory_space<semaphore_mem>>) src(%dma_wait3A_94 : memref<6x112xi32, #tpu.memory_space<hbm>>) dst(%dma_wait3A_90 : memref<6x112xi32, #tpu.memory_space<vmem>>)
      tpu.yield
    }) : () -> ()
    %dma_start3A = arith.constant 0 : i32
    %dma_start3A_8 = arith.constant 0 : i32
    %dma_start3A_9 = arith.constant 0 : i32
    %dma_start3A_10 = tpu.memref_slice %arg7[%dma_start3A, %dma_start3A_8, %dma_start3A_9] : memref<2x6x112xi32, #tpu.memory_space<vmem>> -> memref<1x1x112xi32, #tpu.memory_space<vmem>>
    %dma_start3A_11 = tpu.memref_squeeze %dma_start3A_10 : memref<1x1x112xi32, #tpu.memory_space<vmem>> -> memref<112xi32, #tpu.memory_space<vmem>>
    %dma_start3A_12 = arith.constant 0 : i32
    %dma_start3A_13 = arith.constant 0 : i32
    %dma_start3A_14 = tpu.memref_slice %arg2[%dma_start3A_12, %dma_start3A_13] : memref<10000x128xf32, #tpu.memory_space<hbm>> -> memref<10000x128xf32, #tpu.memory_space<hbm>>
    tpu.enqueue_indirect_dma source(%dma_start3A_14 : memref<10000x128xf32, #tpu.memory_space<hbm>>) target(%arg9 : memref<112x128xf32, #tpu.memory_space<vmem>>) offsets(%dma_start3A_11 : memref<112xi32, #tpu.memory_space<vmem>>) semaphore(%arg13 : memref<!tpu.dma_semaphore, #tpu.memory_space<semaphore_mem>>)
    %dma_start3A_15 = arith.constant 0 : i32
    %dma_start3A_16 = arith.constant 1 : i32
    %dma_start3A_17 = arith.constant 0 : i32
    %dma_start3A_18 = tpu.memref_slice %arg7[%dma_start3A_15, %dma_start3A_16, %dma_start3A_17] : memref<2x6x112xi32, #tpu.memory_space<vmem>> -> memref<1x1x112xi32, #tpu.memory_space<vmem>>
    %dma_start3A_19 = tpu.memref_squeeze %dma_start3A_18 : memref<1x1x112xi32, #tpu.memory_space<vmem>> -> memref<112xi32, #tpu.memory_space<vmem>>
    %dma_start3A_20 = arith.constant 0 : i32
    %dma_start3A_21 = arith.constant 0 : i32
    %dma_start3A_22 = tpu.memref_slice %arg2[%dma_start3A_20, %dma_start3A_21] : memref<10000x128xf32, #tpu.memory_space<hbm>> -> memref<10000x128xf32, #tpu.memory_space<hbm>>
    tpu.enqueue_indirect_dma source(%dma_start3A_22 : memref<10000x128xf32, #tpu.memory_space<hbm>>) target(%arg10 : memref<112x128xf32, #tpu.memory_space<vmem>>) offsets(%dma_start3A_19 : memref<112xi32, #tpu.memory_space<vmem>>) semaphore(%arg14 : memref<!tpu.dma_semaphore, #tpu.memory_space<semaphore_mem>>)
    %eq3A = arith.constant 0 : i32
    %eq3A_23 = arith.cmpi eq, %arg0, %eq3A : i32
    %lt3A = arith.constant 15 : i32
    %lt3A_24 = arith.cmpi slt, %arg1, %lt3A : i32
    %and3A = arith.andi %eq3A_23, %lt3A_24 : i1
    %convert_element_type3A = arith.extui %and3A : i1 to i32
    %cond3A = arith.constant 0 : i32
    %cond3A_25 = arith.cmpi ne, %convert_element_type3A, %cond3A : i32
    scf.if %cond3A_25 {
      "tpu.region"() ({
        %run_scoped3A_62 = tpu.sem_alloc : memref<!tpu.dma_semaphore, #tpu.memory_space<semaphore_mem>>
        %dma_start3A_63 = arith.constant 0 : i32
        %dma_start3A_64 = tpu.memref_slice %arg12[%mul3A_2, %dma_start3A_63] : memref<10112x128xf32, #tpu.memory_space<vmem_shared>> -> memref<632x128xf32, #tpu.memory_space<vmem_shared>>
        %dma_start3A_65 = arith.constant 0 : i32
        %dma_start3A_66 = tpu.memref_slice %arg2[%mul3A_2, %dma_start3A_65] : memref<10000x128xf32, #tpu.memory_space<hbm>> -> memref<632x128xf32, #tpu.memory_space<hbm>>
        tpu.enqueue_dma source(%dma_start3A_66 : memref<632x128xf32, #tpu.memory_space<hbm>>) target(%dma_start3A_64 : memref<632x128xf32, #tpu.memory_space<vmem_shared>>) target_semaphore(%run_scoped3A_62 : memref<!tpu.dma_semaphore, #tpu.memory_space<semaphore_mem>>)
        %dma_wait3A_67 = arith.constant 0 : i32
        %dma_wait3A_68 = tpu.memref_slice %arg12[%mul3A_2, %dma_wait3A_67] : memref<10112x128xf32, #tpu.memory_space<vmem_shared>> -> memref<632x128xf32, #tpu.memory_space<vmem_shared>>
        %dma_wait3A_69 = arith.constant 0 : i32
        %dma_wait3A_70 = tpu.memref_slice %arg2[%mul3A_2, %dma_wait3A_69] : memref<10000x128xf32, #tpu.memory_space<hbm>> -> memref<632x128xf32, #tpu.memory_space<hbm>>
        tpu.wait_dma2 semaphore(%run_scoped3A_62 : memref<!tpu.dma_semaphore, #tpu.memory_space<semaphore_mem>>) src(%dma_wait3A_70 : memref<632x128xf32, #tpu.memory_space<hbm>>) dst(%dma_wait3A_68 : memref<632x128xf32, #tpu.memory_space<vmem_shared>>)
        tpu.yield
      }) : () -> ()
    } else {
    }
    %eq3A_26 = arith.constant 0 : i32
    %eq3A_27 = arith.cmpi eq, %arg0, %eq3A_26 : i32
    %eq3A_28 = arith.constant 15 : i32
    %eq3A_29 = arith.cmpi eq, %arg1, %eq3A_28 : i32
    %and3A_30 = arith.andi %eq3A_27, %eq3A_29 : i1
    %convert_element_type3A_31 = arith.extui %and3A_30 : i1 to i32
    %cond3A_32 = arith.constant 0 : i32
    %cond3A_33 = arith.cmpi ne, %convert_element_type3A_31, %cond3A_32 : i32
    scf.if %cond3A_33 {
      "tpu.region"() ({
        %run_scoped3A_64 = tpu.sem_alloc : memref<!tpu.dma_semaphore, #tpu.memory_space<semaphore_mem>>
        %dma_start3A_65 = arith.constant 0 : i32
        %dma_start3A_66 = tpu.memref_slice %arg12[%mul3A_2, %dma_start3A_65] : memref<10112x128xf32, #tpu.memory_space<vmem_shared>> -> memref<520x128xf32, #tpu.memory_space<vmem_shared>>
        %dma_start3A_67 = arith.constant 0 : i32
        %dma_start3A_68 = tpu.memref_slice %arg2[%mul3A_2, %dma_start3A_67] : memref<10000x128xf32, #tpu.memory_space<hbm>> -> memref<520x128xf32, #tpu.memory_space<hbm>>
        tpu.enqueue_dma source(%dma_start3A_68 : memref<520x128xf32, #tpu.memory_space<hbm>>) target(%dma_start3A_66 : memref<520x128xf32, #tpu.memory_space<vmem_shared>>) target_semaphore(%run_scoped3A_64 : memref<!tpu.dma_semaphore, #tpu.memory_space<semaphore_mem>>)
        %dma_wait3A_69 = arith.constant 0 : i32
        %dma_wait3A_70 = tpu.memref_slice %arg12[%mul3A_2, %dma_wait3A_69] : memref<10112x128xf32, #tpu.memory_space<vmem_shared>> -> memref<520x128xf32, #tpu.memory_space<vmem_shared>>
        %dma_wait3A_71 = arith.constant 0 : i32
        %dma_wait3A_72 = tpu.memref_slice %arg2[%mul3A_2, %dma_wait3A_71] : memref<10000x128xf32, #tpu.memory_space<hbm>> -> memref<520x128xf32, #tpu.memory_space<hbm>>
        tpu.wait_dma2 semaphore(%run_scoped3A_64 : memref<!tpu.dma_semaphore, #tpu.memory_space<semaphore_mem>>) src(%dma_wait3A_72 : memref<520x128xf32, #tpu.memory_space<hbm>>) dst(%dma_wait3A_70 : memref<520x128xf32, #tpu.memory_space<vmem_shared>>)
        tpu.yield
      }) : () -> ()
      %add3A_62 = arith.constant 520 : i32
      %add3A_63 = arith.addi %mul3A_2, %add3A_62 : i32
      "tpu.region"() ({
        %run_scoped3A_64 = tpu.sem_alloc : memref<!tpu.dma_semaphore, #tpu.memory_space<semaphore_mem>>
        %dma_start3A_65 = arith.constant 0 : i32
        %dma_start3A_66 = tpu.memref_slice %arg12[%add3A_63, %dma_start3A_65] : memref<10112x128xf32, #tpu.memory_space<vmem_shared>> -> memref<112x128xf32, #tpu.memory_space<vmem_shared>>
        %dma_start3A_67 = arith.constant 0 : i32
        %dma_start3A_68 = arith.constant 0 : i32
        %dma_start3A_69 = tpu.memref_slice %arg4[%dma_start3A_67, %dma_start3A_68] : memref<632x128xf32, #tpu.memory_space<hbm>> -> memref<112x128xf32, #tpu.memory_space<hbm>>
        tpu.enqueue_dma source(%dma_start3A_69 : memref<112x128xf32, #tpu.memory_space<hbm>>) target(%dma_start3A_66 : memref<112x128xf32, #tpu.memory_space<vmem_shared>>) target_semaphore(%run_scoped3A_64 : memref<!tpu.dma_semaphore, #tpu.memory_space<semaphore_mem>>)
        %dma_wait3A_70 = arith.constant 0 : i32
        %dma_wait3A_71 = tpu.memref_slice %arg12[%add3A_63, %dma_wait3A_70] : memref<10112x128xf32, #tpu.memory_space<vmem_shared>> -> memref<112x128xf32, #tpu.memory_space<vmem_shared>>
        %dma_wait3A_72 = arith.constant 0 : i32
        %dma_wait3A_73 = arith.constant 0 : i32
        %dma_wait3A_74 = tpu.memref_slice %arg4[%dma_wait3A_72, %dma_wait3A_73] : memref<632x128xf32, #tpu.memory_space<hbm>> -> memref<112x128xf32, #tpu.memory_space<hbm>>
        tpu.wait_dma2 semaphore(%run_scoped3A_64 : memref<!tpu.dma_semaphore, #tpu.memory_space<semaphore_mem>>) src(%dma_wait3A_74 : memref<112x128xf32, #tpu.memory_space<hbm>>) dst(%dma_wait3A_71 : memref<112x128xf32, #tpu.memory_space<vmem_shared>>)
        tpu.yield
      }) : () -> ()
    } else {
    }
    %eq3A_34 = arith.constant 1 : i32
    %eq3A_35 = arith.cmpi eq, %arg0, %eq3A_34 : i32
    %convert_element_type3A_36 = arith.extui %eq3A_35 : i1 to i32
    %cond3A_37 = arith.constant 0 : i32
    %cond3A_38 = arith.cmpi ne, %convert_element_type3A_36, %cond3A_37 : i32
    scf.if %cond3A_38 {
      "tpu.region"() ({
        %run_scoped3A_62 = tpu.sem_alloc : memref<!tpu.dma_semaphore, #tpu.memory_space<semaphore_mem>>
        %dma_start3A_63 = arith.constant 0 : i32
        %dma_start3A_64 = tpu.memref_slice %arg12[%mul3A_2, %dma_start3A_63] : memref<10112x128xf32, #tpu.memory_space<vmem_shared>> -> memref<632x128xf32, #tpu.memory_space<vmem_shared>>
        tpu.enqueue_dma source(%arg4 : memref<632x128xf32, #tpu.memory_space<hbm>>) target(%dma_start3A_64 : memref<632x128xf32, #tpu.memory_space<vmem_shared>>) target_semaphore(%run_scoped3A_62 : memref<!tpu.dma_semaphore, #tpu.memory_space<semaphore_mem>>)
        %dma_wait3A_65 = arith.constant 0 : i32
        %dma_wait3A_66 = tpu.memref_slice %arg12[%mul3A_2, %dma_wait3A_65] : memref<10112x128xf32, #tpu.memory_space<vmem_shared>> -> memref<632x128xf32, #tpu.memory_space<vmem_shared>>
        tpu.wait_dma2 semaphore(%run_scoped3A_62 : memref<!tpu.dma_semaphore, #tpu.memory_space<semaphore_mem>>) src(%arg4 : memref<632x128xf32, #tpu.memory_space<hbm>>) dst(%dma_wait3A_66 : memref<632x128xf32, #tpu.memory_space<vmem_shared>>)
        tpu.yield
      }) : () -> ()
    } else {
    }
    %barrier3A = arith.constant 0 : index
    tpu.barrier barrier_id(%barrier3A)
    %scan3A = arith.constant 0 : i32
    %scan3A_39 = arith.constant 0 : i32
    %scan3A_40 = arith.constant 15 : i32
    %scan3A_41 = arith.addi %scan3A_39, %scan3A_40 : i32
    %scan3A_42 = arith.constant 1 : i32
    scf.for %scan3A_62 = %scan3A_39 to %scan3A_41 step %scan3A_42  : i32 {
      %jit3A = arith.constant 2 : i32
      %eq3A_63 = arith.constant 0 : i32
      %eq3A_64 = arith.cmpi eq, %jit3A, %eq3A_63 : i32
      %jit3A_65 = arith.constant 1 : i32
      %select_n3A = arith.select %eq3A_64, %jit3A_65, %jit3A : i32
      %rem3A = arith.remsi %scan3A_62, %select_n3A : i32
      %ne3A = arith.constant 0 : i32
      %ne3A_66 = arith.cmpi ne, %rem3A, %ne3A : i32
      %lt3A_67 = arith.constant 0 : i32
      %lt3A_68 = arith.cmpi slt, %rem3A, %lt3A_67 : i32
      %lt3A_69 = arith.constant 0 : i32
      %lt3A_70 = arith.cmpi slt, %select_n3A, %lt3A_69 : i32
      %ne3A_71 = arith.xori %lt3A_68, %lt3A_70 : i1
      %and3A_72 = arith.andi %ne3A_71, %ne3A_66 : i1
      %add3A_73 = arith.addi %rem3A, %select_n3A : i32
      %select_n3A_74 = arith.select %and3A_72, %add3A_73, %rem3A : i32
      %add3A_75 = arith.constant 1 : i32
      %add3A_76 = arith.addi %scan3A_62, %add3A_75 : i32
      %jit3A_77 = arith.constant 2 : i32
      %eq3A_78 = arith.constant 0 : i32
      %eq3A_79 = arith.cmpi eq, %jit3A_77, %eq3A_78 : i32
      %jit3A_80 = arith.constant 1 : i32
      %select_n3A_81 = arith.select %eq3A_79, %jit3A_80, %jit3A_77 : i32
      %rem3A_82 = arith.remsi %add3A_76, %select_n3A_81 : i32
      %ne3A_83 = arith.constant 0 : i32
      %ne3A_84 = arith.cmpi ne, %rem3A_82, %ne3A_83 : i32
      %lt3A_85 = arith.constant 0 : i32
      %lt3A_86 = arith.cmpi slt, %rem3A_82, %lt3A_85 : i32
      %lt3A_87 = arith.constant 0 : i32
      %lt3A_88 = arith.cmpi slt, %select_n3A_81, %lt3A_87 : i32
      %ne3A_89 = arith.xori %lt3A_86, %lt3A_88 : i1
      %and3A_90 = arith.andi %ne3A_89, %ne3A_84 : i1
      %add3A_91 = arith.addi %rem3A_82, %select_n3A_81 : i32
      %select_n3A_92 = arith.select %and3A_90, %add3A_91, %rem3A_82 : i32
      %add3A_93 = arith.constant 1 : i32
      %add3A_94 = arith.addi %scan3A_62, %add3A_93 : i32
      %lt3A_95 = arith.constant 15 : i32
      %lt3A_96 = arith.cmpi slt, %add3A_94, %lt3A_95 : i32
      %convert_element_type3A_97 = arith.extui %lt3A_96 : i1 to i32
      %cond3A_98 = arith.constant 0 : i32
      %cond3A_99 = arith.cmpi ne, %convert_element_type3A_97, %cond3A_98 : i32
      scf.if %cond3A_99 {
        %add3A_268 = arith.constant 1 : i32
        %add3A_269 = arith.addi %scan3A_62, %add3A_268 : i32
        %dma_start3A_270 = arith.constant 0 : i32
        %dma_start3A_271 = arith.constant 0 : i32
        %dma_start3A_272 = arith.constant 0 : i32
        %dma_start3A_273 = tpu.memref_slice %arg7[%select_n3A_92, %dma_start3A_271, %dma_start3A_272] : memref<2x6x112xi32, #tpu.memory_space<vmem>> -> memref<1x6x112xi32, #tpu.memory_space<vmem>>
        %dma_start3A_274 = tpu.memref_squeeze %dma_start3A_273 : memref<1x6x112xi32, #tpu.memory_space<vmem>> -> memref<6x112xi32, #tpu.memory_space<vmem>>
        %dma_start3A_275 = arith.constant 0 : i32
        %dma_start3A_276 = arith.constant 0 : i32
        %dma_start3A_277 = tpu.memref_slice %arg3[%dma_start3A_270, %add3A, %add3A_269, %dma_start3A_275, %dma_start3A_276] : memref<2x32x15x6x112xi32, #tpu.memory_space<hbm>> -> memref<1x1x1x6x112xi32, #tpu.memory_space<hbm>>
        %dma_start3A_278 = tpu.memref_squeeze %dma_start3A_277 : memref<1x1x1x6x112xi32, #tpu.memory_space<hbm>> -> memref<6x112xi32, #tpu.memory_space<hbm>>
        %dma_start3A_279 = arith.constant 0 : i32
        %dma_start3A_280 = arith.constant 0 : i32
        %dma_start3A_281 = tpu.memref_slice %arg7[%select_n3A_92, %dma_start3A_279, %dma_start3A_280] : memref<2x6x112xi32, #tpu.memory_space<vmem>> -> memref<1x6x112xi32, #tpu.memory_space<vmem>>
        %dma_start3A_282 = tpu.memref_squeeze %dma_start3A_281 : memref<1x6x112xi32, #tpu.memory_space<vmem>> -> memref<6x112xi32, #tpu.memory_space<vmem>>
        %dma_start3A_283 = arith.constant 0 : i32
        %dma_start3A_284 = arith.constant 0 : i32
        %dma_start3A_285 = tpu.memref_slice %arg3[%dma_start3A_270, %add3A, %add3A_269, %dma_start3A_283, %dma_start3A_284] : memref<2x32x15x6x112xi32, #tpu.memory_space<hbm>> -> memref<1x1x1x6x112xi32, #tpu.memory_space<hbm>>
        %dma_start3A_286 = tpu.memref_squeeze %dma_start3A_285 : memref<1x1x1x6x112xi32, #tpu.memory_space<hbm>> -> memref<6x112xi32, #tpu.memory_space<hbm>>
        tpu.enqueue_dma source(%dma_start3A_286 : memref<6x112xi32, #tpu.memory_space<hbm>>) target(%dma_start3A_282 : memref<6x112xi32, #tpu.memory_space<vmem>>) target_semaphore(%arg19 : memref<!tpu.dma_semaphore, #tpu.memory_space<semaphore_mem>>)
        %add3A_287 = arith.constant 1 : i32
        %add3A_288 = arith.addi %scan3A_62, %add3A_287 : i32
        %dma_start3A_289 = arith.constant 1 : i32
        %dma_start3A_290 = arith.constant 0 : i32
        %dma_start3A_291 = arith.constant 0 : i32
        %dma_start3A_292 = tpu.memref_slice %arg8[%select_n3A_92, %dma_start3A_290, %dma_start3A_291] : memref<2x6x112xi32, #tpu.memory_space<vmem>> -> memref<1x6x112xi32, #tpu.memory_space<vmem>>
        %dma_start3A_293 = tpu.memref_squeeze %dma_start3A_292 : memref<1x6x112xi32, #tpu.memory_space<vmem>> -> memref<6x112xi32, #tpu.memory_space<vmem>>
        %dma_start3A_294 = arith.constant 0 : i32
        %dma_start3A_295 = arith.constant 0 : i32
        %dma_start3A_296 = tpu.memref_slice %arg3[%dma_start3A_289, %add3A, %add3A_288, %dma_start3A_294, %dma_start3A_295] : memref<2x32x15x6x112xi32, #tpu.memory_space<hbm>> -> memref<1x1x1x6x112xi32, #tpu.memory_space<hbm>>
        %dma_start3A_297 = tpu.memref_squeeze %dma_start3A_296 : memref<1x1x1x6x112xi32, #tpu.memory_space<hbm>> -> memref<6x112xi32, #tpu.memory_space<hbm>>
        %dma_start3A_298 = arith.constant 0 : i32
        %dma_start3A_299 = arith.constant 0 : i32
        %dma_start3A_300 = tpu.memref_slice %arg8[%select_n3A_92, %dma_start3A_298, %dma_start3A_299] : memref<2x6x112xi32, #tpu.memory_space<vmem>> -> memref<1x6x112xi32, #tpu.memory_space<vmem>>
        %dma_start3A_301 = tpu.memref_squeeze %dma_start3A_300 : memref<1x6x112xi32, #tpu.memory_space<vmem>> -> memref<6x112xi32, #tpu.memory_space<vmem>>
        %dma_start3A_302 = arith.constant 0 : i32
        %dma_start3A_303 = arith.constant 0 : i32
        %dma_start3A_304 = tpu.memref_slice %arg3[%dma_start3A_289, %add3A, %add3A_288, %dma_start3A_302, %dma_start3A_303] : memref<2x32x15x6x112xi32, #tpu.memory_space<hbm>> -> memref<1x1x1x6x112xi32, #tpu.memory_space<hbm>>
        %dma_start3A_305 = tpu.memref_squeeze %dma_start3A_304 : memref<1x1x1x6x112xi32, #tpu.memory_space<hbm>> -> memref<6x112xi32, #tpu.memory_space<hbm>>
        tpu.enqueue_dma source(%dma_start3A_305 : memref<6x112xi32, #tpu.memory_space<hbm>>) target(%dma_start3A_301 : memref<6x112xi32, #tpu.memory_space<vmem>>) target_semaphore(%arg20 : memref<!tpu.dma_semaphore, #tpu.memory_space<semaphore_mem>>)
      } else {
      }
      %dma_wait3A_100 = arith.constant 0 : i32
      %dma_wait3A_101 = arith.constant 0 : i32
      %dma_wait3A_102 = tpu.memref_slice %arg7[%select_n3A_74, %dma_wait3A_100, %dma_wait3A_101] : memref<2x6x112xi32, #tpu.memory_space<vmem>> -> memref<1x1x112xi32, #tpu.memory_space<vmem>>
      %dma_wait3A_103 = tpu.memref_squeeze %dma_wait3A_102 : memref<1x1x112xi32, #tpu.memory_space<vmem>> -> memref<112xi32, #tpu.memory_space<vmem>>
      %dma_wait3A_104 = arith.constant 0 : i32
      %dma_wait3A_105 = arith.constant 0 : i32
      %dma_wait3A_106 = tpu.memref_slice %arg2[%dma_wait3A_104, %dma_wait3A_105] : memref<10000x128xf32, #tpu.memory_space<hbm>> -> memref<10000x128xf32, #tpu.memory_space<hbm>>
      tpu.wait_indirect_dma semaphore(%arg13 : memref<!tpu.dma_semaphore, #tpu.memory_space<semaphore_mem>>) src(%dma_wait3A_106 : memref<10000x128xf32, #tpu.memory_space<hbm>>) dst(%arg9 : memref<112x128xf32, #tpu.memory_space<vmem>>)
      %dma_start3A_107 = arith.constant 0 : i32
      %dma_start3A_108 = arith.constant 0 : i32
      %dma_start3A_109 = tpu.memref_slice %arg8[%select_n3A_74, %dma_start3A_107, %dma_start3A_108] : memref<2x6x112xi32, #tpu.memory_space<vmem>> -> memref<1x1x112xi32, #tpu.memory_space<vmem>>
      %dma_start3A_110 = tpu.memref_squeeze %dma_start3A_109 : memref<1x1x112xi32, #tpu.memory_space<vmem>> -> memref<112xi32, #tpu.memory_space<vmem>>
      %dma_start3A_111 = arith.constant 0 : i32
      %dma_start3A_112 = arith.constant 0 : i32
      %dma_start3A_113 = tpu.memref_slice %arg12[%dma_start3A_111, %dma_start3A_112] : memref<10112x128xf32, #tpu.memory_space<vmem_shared>> -> memref<10112x128xf32, #tpu.memory_space<vmem_shared>>
      tpu.enqueue_indirect_dma source(%arg9 : memref<112x128xf32, #tpu.memory_space<vmem>>) target(%dma_start3A_113 : memref<10112x128xf32, #tpu.memory_space<vmem_shared>>) offsets(%dma_start3A_110 : memref<112xi32, #tpu.memory_space<vmem>>) semaphore(%arg16 : memref<!tpu.dma_semaphore, #tpu.memory_space<semaphore_mem>>) {add = true}
      %eq3A_114 = arith.constant 0 : i32
      %eq3A_115 = arith.cmpi eq, %scan3A_62, %eq3A_114 : i32
      %convert_element_type3A_116 = arith.extui %eq3A_115 : i1 to i32
      %cond3A_117 = arith.constant 0 : i32
      %cond3A_118 = arith.cmpi ne, %convert_element_type3A_116, %cond3A_117 : i32
      scf.if %cond3A_118 {
        %dma_start3A_268 = arith.constant 2 : i32
        %dma_start3A_269 = arith.constant 0 : i32
        %dma_start3A_270 = tpu.memref_slice %arg7[%select_n3A_74, %dma_start3A_268, %dma_start3A_269] : memref<2x6x112xi32, #tpu.memory_space<vmem>> -> memref<1x1x112xi32, #tpu.memory_space<vmem>>
        %dma_start3A_271 = tpu.memref_squeeze %dma_start3A_270 : memref<1x1x112xi32, #tpu.memory_space<vmem>> -> memref<112xi32, #tpu.memory_space<vmem>>
        %dma_start3A_272 = arith.constant 0 : i32
        %dma_start3A_273 = arith.constant 0 : i32
        %dma_start3A_274 = tpu.memref_slice %arg2[%dma_start3A_272, %dma_start3A_273] : memref<10000x128xf32, #tpu.memory_space<hbm>> -> memref<10000x128xf32, #tpu.memory_space<hbm>>
        tpu.enqueue_indirect_dma source(%dma_start3A_274 : memref<10000x128xf32, #tpu.memory_space<hbm>>) target(%arg11 : memref<112x128xf32, #tpu.memory_space<vmem>>) offsets(%dma_start3A_271 : memref<112xi32, #tpu.memory_space<vmem>>) semaphore(%arg15 : memref<!tpu.dma_semaphore, #tpu.memory_space<semaphore_mem>>)
      } else {
      }
      %gt3A = arith.constant 0 : i32
      %gt3A_119 = arith.cmpi sgt, %scan3A_62, %gt3A : i32
      %convert_element_type3A_120 = arith.extui %gt3A_119 : i1 to i32
      %cond3A_121 = arith.constant 0 : i32
      %cond3A_122 = arith.cmpi ne, %convert_element_type3A_120, %cond3A_121 : i32
      scf.if %cond3A_122 {
        %dma_wait3A_268 = arith.constant 0 : i32
        %dma_wait3A_269 = arith.constant 0 : i32
        %dma_wait3A_270 = arith.constant 0 : i32
        %dma_wait3A_271 = tpu.memref_slice %arg8[%dma_wait3A_268, %dma_wait3A_269, %dma_wait3A_270] : memref<2x6x112xi32, #tpu.memory_space<vmem>> -> memref<1x1x112xi32, #tpu.memory_space<vmem>>
        %dma_wait3A_272 = tpu.memref_squeeze %dma_wait3A_271 : memref<1x1x112xi32, #tpu.memory_space<vmem>> -> memref<112xi32, #tpu.memory_space<vmem>>
        %dma_wait3A_273 = arith.constant 0 : i32
        %dma_wait3A_274 = arith.constant 0 : i32
        %dma_wait3A_275 = tpu.memref_slice %arg12[%dma_wait3A_273, %dma_wait3A_274] : memref<10112x128xf32, #tpu.memory_space<vmem_shared>> -> memref<10112x128xf32, #tpu.memory_space<vmem_shared>>
        tpu.wait_indirect_dma semaphore(%arg18 : memref<!tpu.dma_semaphore, #tpu.memory_space<semaphore_mem>>) src(%arg11 : memref<112x128xf32, #tpu.memory_space<vmem>>) dst(%dma_wait3A_275 : memref<10112x128xf32, #tpu.memory_space<vmem_shared>>)
        %dma_start3A_276 = arith.constant 2 : i32
        %dma_start3A_277 = arith.constant 0 : i32
        %dma_start3A_278 = tpu.memref_slice %arg7[%select_n3A_74, %dma_start3A_276, %dma_start3A_277] : memref<2x6x112xi32, #tpu.memory_space<vmem>> -> memref<1x1x112xi32, #tpu.memory_space<vmem>>
        %dma_start3A_279 = tpu.memref_squeeze %dma_start3A_278 : memref<1x1x112xi32, #tpu.memory_space<vmem>> -> memref<112xi32, #tpu.memory_space<vmem>>
        %dma_start3A_280 = arith.constant 0 : i32
        %dma_start3A_281 = arith.constant 0 : i32
        %dma_start3A_282 = tpu.memref_slice %arg2[%dma_start3A_280, %dma_start3A_281] : memref<10000x128xf32, #tpu.memory_space<hbm>> -> memref<10000x128xf32, #tpu.memory_space<hbm>>
        tpu.enqueue_indirect_dma source(%dma_start3A_282 : memref<10000x128xf32, #tpu.memory_space<hbm>>) target(%arg11 : memref<112x128xf32, #tpu.memory_space<vmem>>) offsets(%dma_start3A_279 : memref<112xi32, #tpu.memory_space<vmem>>) semaphore(%arg15 : memref<!tpu.dma_semaphore, #tpu.memory_space<semaphore_mem>>)
      } else {
      }
      %dma_wait3A_123 = arith.constant 1 : i32
      %dma_wait3A_124 = arith.constant 0 : i32
      %dma_wait3A_125 = tpu.memref_slice %arg7[%select_n3A_74, %dma_wait3A_123, %dma_wait3A_124] : memref<2x6x112xi32, #tpu.memory_space<vmem>> -> memref<1x1x112xi32, #tpu.memory_space<vmem>>
      %dma_wait3A_126 = tpu.memref_squeeze %dma_wait3A_125 : memref<1x1x112xi32, #tpu.memory_space<vmem>> -> memref<112xi32, #tpu.memory_space<vmem>>
      %dma_wait3A_127 = arith.constant 0 : i32
      %dma_wait3A_128 = arith.constant 0 : i32
      %dma_wait3A_129 = tpu.memref_slice %arg2[%dma_wait3A_127, %dma_wait3A_128] : memref<10000x128xf32, #tpu.memory_space<hbm>> -> memref<10000x128xf32, #tpu.memory_space<hbm>>
      tpu.wait_indirect_dma semaphore(%arg14 : memref<!tpu.dma_semaphore, #tpu.memory_space<semaphore_mem>>) src(%dma_wait3A_129 : memref<10000x128xf32, #tpu.memory_space<hbm>>) dst(%arg10 : memref<112x128xf32, #tpu.memory_space<vmem>>)
      %dma_start3A_130 = arith.constant 1 : i32
      %dma_start3A_131 = arith.constant 0 : i32
      %dma_start3A_132 = tpu.memref_slice %arg8[%select_n3A_74, %dma_start3A_130, %dma_start3A_131] : memref<2x6x112xi32, #tpu.memory_space<vmem>> -> memref<1x1x112xi32, #tpu.memory_space<vmem>>
      %dma_start3A_133 = tpu.memref_squeeze %dma_start3A_132 : memref<1x1x112xi32, #tpu.memory_space<vmem>> -> memref<112xi32, #tpu.memory_space<vmem>>
      %dma_start3A_134 = arith.constant 0 : i32
      %dma_start3A_135 = arith.constant 0 : i32
      %dma_start3A_136 = tpu.memref_slice %arg12[%dma_start3A_134, %dma_start3A_135] : memref<10112x128xf32, #tpu.memory_space<vmem_shared>> -> memref<10112x128xf32, #tpu.memory_space<vmem_shared>>
      tpu.enqueue_indirect_dma source(%arg10 : memref<112x128xf32, #tpu.memory_space<vmem>>) target(%dma_start3A_136 : memref<10112x128xf32, #tpu.memory_space<vmem_shared>>) offsets(%dma_start3A_133 : memref<112xi32, #tpu.memory_space<vmem>>) semaphore(%arg17 : memref<!tpu.dma_semaphore, #tpu.memory_space<semaphore_mem>>) {add = true}
      %dma_wait3A_137 = arith.constant 0 : i32
      %dma_wait3A_138 = arith.constant 0 : i32
      %dma_wait3A_139 = arith.constant 0 : i32
      %dma_wait3A_140 = tpu.memref_slice %arg8[%dma_wait3A_137, %dma_wait3A_138, %dma_wait3A_139] : memref<2x6x112xi32, #tpu.memory_space<vmem>> -> memref<1x1x112xi32, #tpu.memory_space<vmem>>
      %dma_wait3A_141 = tpu.memref_squeeze %dma_wait3A_140 : memref<1x1x112xi32, #tpu.memory_space<vmem>> -> memref<112xi32, #tpu.memory_space<vmem>>
      %dma_wait3A_142 = arith.constant 0 : i32
      %dma_wait3A_143 = arith.constant 0 : i32
      %dma_wait3A_144 = tpu.memref_slice %arg12[%dma_wait3A_142, %dma_wait3A_143] : memref<10112x128xf32, #tpu.memory_space<vmem_shared>> -> memref<10112x128xf32, #tpu.memory_space<vmem_shared>>
      tpu.wait_indirect_dma semaphore(%arg16 : memref<!tpu.dma_semaphore, #tpu.memory_space<semaphore_mem>>) src(%arg9 : memref<112x128xf32, #tpu.memory_space<vmem>>) dst(%dma_wait3A_144 : memref<10112x128xf32, #tpu.memory_space<vmem_shared>>)
      %dma_start3A_145 = arith.constant 3 : i32
      %dma_start3A_146 = arith.constant 0 : i32
      %dma_start3A_147 = tpu.memref_slice %arg7[%select_n3A_74, %dma_start3A_145, %dma_start3A_146] : memref<2x6x112xi32, #tpu.memory_space<vmem>> -> memref<1x1x112xi32, #tpu.memory_space<vmem>>
      %dma_start3A_148 = tpu.memref_squeeze %dma_start3A_147 : memref<1x1x112xi32, #tpu.memory_space<vmem>> -> memref<112xi32, #tpu.memory_space<vmem>>
      %dma_start3A_149 = arith.constant 0 : i32
      %dma_start3A_150 = arith.constant 0 : i32
      %dma_start3A_151 = tpu.memref_slice %arg2[%dma_start3A_149, %dma_start3A_150] : memref<10000x128xf32, #tpu.memory_space<hbm>> -> memref<10000x128xf32, #tpu.memory_space<hbm>>
      tpu.enqueue_indirect_dma source(%dma_start3A_151 : memref<10000x128xf32, #tpu.memory_space<hbm>>) target(%arg9 : memref<112x128xf32, #tpu.memory_space<vmem>>) offsets(%dma_start3A_148 : memref<112xi32, #tpu.memory_space<vmem>>) semaphore(%arg13 : memref<!tpu.dma_semaphore, #tpu.memory_space<semaphore_mem>>)
      %dma_wait3A_152 = arith.constant 2 : i32
      %dma_wait3A_153 = arith.constant 0 : i32
      %dma_wait3A_154 = tpu.memref_slice %arg7[%select_n3A_74, %dma_wait3A_152, %dma_wait3A_153] : memref<2x6x112xi32, #tpu.memory_space<vmem>> -> memref<1x1x112xi32, #tpu.memory_space<vmem>>
      %dma_wait3A_155 = tpu.memref_squeeze %dma_wait3A_154 : memref<1x1x112xi32, #tpu.memory_space<vmem>> -> memref<112xi32, #tpu.memory_space<vmem>>
      %dma_wait3A_156 = arith.constant 0 : i32
      %dma_wait3A_157 = arith.constant 0 : i32
      %dma_wait3A_158 = tpu.memref_slice %arg2[%dma_wait3A_156, %dma_wait3A_157] : memref<10000x128xf32, #tpu.memory_space<hbm>> -> memref<10000x128xf32, #tpu.memory_space<hbm>>
      tpu.wait_indirect_dma semaphore(%arg15 : memref<!tpu.dma_semaphore, #tpu.memory_space<semaphore_mem>>) src(%dma_wait3A_158 : memref<10000x128xf32, #tpu.memory_space<hbm>>) dst(%arg11 : memref<112x128xf32, #tpu.memory_space<vmem>>)
      %dma_start3A_159 = arith.constant 2 : i32
      %dma_start3A_160 = arith.constant 0 : i32
      %dma_start3A_161 = tpu.memref_slice %arg8[%select_n3A_74, %dma_start3A_159, %dma_start3A_160] : memref<2x6x112xi32, #tpu.memory_space<vmem>> -> memref<1x1x112xi32, #tpu.memory_space<vmem>>
      %dma_start3A_162 = tpu.memref_squeeze %dma_start3A_161 : memref<1x1x112xi32, #tpu.memory_space<vmem>> -> memref<112xi32, #tpu.memory_space<vmem>>
      %dma_start3A_163 = arith.constant 0 : i32
      %dma_start3A_164 = arith.constant 0 : i32
      %dma_start3A_165 = tpu.memref_slice %arg12[%dma_start3A_163, %dma_start3A_164] : memref<10112x128xf32, #tpu.memory_space<vmem_shared>> -> memref<10112x128xf32, #tpu.memory_space<vmem_shared>>
      tpu.enqueue_indirect_dma source(%arg11 : memref<112x128xf32, #tpu.memory_space<vmem>>) target(%dma_start3A_165 : memref<10112x128xf32, #tpu.memory_space<vmem_shared>>) offsets(%dma_start3A_162 : memref<112xi32, #tpu.memory_space<vmem>>) semaphore(%arg18 : memref<!tpu.dma_semaphore, #tpu.memory_space<semaphore_mem>>) {add = true}
      %dma_wait3A_166 = arith.constant 0 : i32
      %dma_wait3A_167 = arith.constant 0 : i32
      %dma_wait3A_168 = arith.constant 0 : i32
      %dma_wait3A_169 = tpu.memref_slice %arg8[%dma_wait3A_166, %dma_wait3A_167, %dma_wait3A_168] : memref<2x6x112xi32, #tpu.memory_space<vmem>> -> memref<1x1x112xi32, #tpu.memory_space<vmem>>
      %dma_wait3A_170 = tpu.memref_squeeze %dma_wait3A_169 : memref<1x1x112xi32, #tpu.memory_space<vmem>> -> memref<112xi32, #tpu.memory_space<vmem>>
      %dma_wait3A_171 = arith.constant 0 : i32
      %dma_wait3A_172 = arith.constant 0 : i32
      %dma_wait3A_173 = tpu.memref_slice %arg12[%dma_wait3A_171, %dma_wait3A_172] : memref<10112x128xf32, #tpu.memory_space<vmem_shared>> -> memref<10112x128xf32, #tpu.memory_space<vmem_shared>>
      tpu.wait_indirect_dma semaphore(%arg17 : memref<!tpu.dma_semaphore, #tpu.memory_space<semaphore_mem>>) src(%arg10 : memref<112x128xf32, #tpu.memory_space<vmem>>) dst(%dma_wait3A_173 : memref<10112x128xf32, #tpu.memory_space<vmem_shared>>)
      %dma_start3A_174 = arith.constant 4 : i32
      %dma_start3A_175 = arith.constant 0 : i32
      %dma_start3A_176 = tpu.memref_slice %arg7[%select_n3A_74, %dma_start3A_174, %dma_start3A_175] : memref<2x6x112xi32, #tpu.memory_space<vmem>> -> memref<1x1x112xi32, #tpu.memory_space<vmem>>
      %dma_start3A_177 = tpu.memref_squeeze %dma_start3A_176 : memref<1x1x112xi32, #tpu.memory_space<vmem>> -> memref<112xi32, #tpu.memory_space<vmem>>
      %dma_start3A_178 = arith.constant 0 : i32
      %dma_start3A_179 = arith.constant 0 : i32
      %dma_start3A_180 = tpu.memref_slice %arg2[%dma_start3A_178, %dma_start3A_179] : memref<10000x128xf32, #tpu.memory_space<hbm>> -> memref<10000x128xf32, #tpu.memory_space<hbm>>
      tpu.enqueue_indirect_dma source(%dma_start3A_180 : memref<10000x128xf32, #tpu.memory_space<hbm>>) target(%arg10 : memref<112x128xf32, #tpu.memory_space<vmem>>) offsets(%dma_start3A_177 : memref<112xi32, #tpu.memory_space<vmem>>) semaphore(%arg14 : memref<!tpu.dma_semaphore, #tpu.memory_space<semaphore_mem>>)
      %dma_wait3A_181 = arith.constant 3 : i32
      %dma_wait3A_182 = arith.constant 0 : i32
      %dma_wait3A_183 = tpu.memref_slice %arg7[%select_n3A_74, %dma_wait3A_181, %dma_wait3A_182] : memref<2x6x112xi32, #tpu.memory_space<vmem>> -> memref<1x1x112xi32, #tpu.memory_space<vmem>>
      %dma_wait3A_184 = tpu.memref_squeeze %dma_wait3A_183 : memref<1x1x112xi32, #tpu.memory_space<vmem>> -> memref<112xi32, #tpu.memory_space<vmem>>
      %dma_wait3A_185 = arith.constant 0 : i32
      %dma_wait3A_186 = arith.constant 0 : i32
      %dma_wait3A_187 = tpu.memref_slice %arg2[%dma_wait3A_185, %dma_wait3A_186] : memref<10000x128xf32, #tpu.memory_space<hbm>> -> memref<10000x128xf32, #tpu.memory_space<hbm>>
      tpu.wait_indirect_dma semaphore(%arg13 : memref<!tpu.dma_semaphore, #tpu.memory_space<semaphore_mem>>) src(%dma_wait3A_187 : memref<10000x128xf32, #tpu.memory_space<hbm>>) dst(%arg9 : memref<112x128xf32, #tpu.memory_space<vmem>>)
      %dma_start3A_188 = arith.constant 3 : i32
      %dma_start3A_189 = arith.constant 0 : i32
      %dma_start3A_190 = tpu.memref_slice %arg8[%select_n3A_74, %dma_start3A_188, %dma_start3A_189] : memref<2x6x112xi32, #tpu.memory_space<vmem>> -> memref<1x1x112xi32, #tpu.memory_space<vmem>>
      %dma_start3A_191 = tpu.memref_squeeze %dma_start3A_190 : memref<1x1x112xi32, #tpu.memory_space<vmem>> -> memref<112xi32, #tpu.memory_space<vmem>>
      %dma_start3A_192 = arith.constant 0 : i32
      %dma_start3A_193 = arith.constant 0 : i32
      %dma_start3A_194 = tpu.memref_slice %arg12[%dma_start3A_192, %dma_start3A_193] : memref<10112x128xf32, #tpu.memory_space<vmem_shared>> -> memref<10112x128xf32, #tpu.memory_space<vmem_shared>>
      tpu.enqueue_indirect_dma source(%arg9 : memref<112x128xf32, #tpu.memory_space<vmem>>) target(%dma_start3A_194 : memref<10112x128xf32, #tpu.memory_space<vmem_shared>>) offsets(%dma_start3A_191 : memref<112xi32, #tpu.memory_space<vmem>>) semaphore(%arg16 : memref<!tpu.dma_semaphore, #tpu.memory_space<semaphore_mem>>) {add = true}
      %dma_wait3A_195 = arith.constant 0 : i32
      %dma_wait3A_196 = arith.constant 0 : i32
      %dma_wait3A_197 = arith.constant 0 : i32
      %dma_wait3A_198 = tpu.memref_slice %arg8[%dma_wait3A_195, %dma_wait3A_196, %dma_wait3A_197] : memref<2x6x112xi32, #tpu.memory_space<vmem>> -> memref<1x1x112xi32, #tpu.memory_space<vmem>>
      %dma_wait3A_199 = tpu.memref_squeeze %dma_wait3A_198 : memref<1x1x112xi32, #tpu.memory_space<vmem>> -> memref<112xi32, #tpu.memory_space<vmem>>
      %dma_wait3A_200 = arith.constant 0 : i32
      %dma_wait3A_201 = arith.constant 0 : i32
      %dma_wait3A_202 = tpu.memref_slice %arg12[%dma_wait3A_200, %dma_wait3A_201] : memref<10112x128xf32, #tpu.memory_space<vmem_shared>> -> memref<10112x128xf32, #tpu.memory_space<vmem_shared>>
      tpu.wait_indirect_dma semaphore(%arg18 : memref<!tpu.dma_semaphore, #tpu.memory_space<semaphore_mem>>) src(%arg11 : memref<112x128xf32, #tpu.memory_space<vmem>>) dst(%dma_wait3A_202 : memref<10112x128xf32, #tpu.memory_space<vmem_shared>>)
      %dma_start3A_203 = arith.constant 5 : i32
      %dma_start3A_204 = arith.constant 0 : i32
      %dma_start3A_205 = tpu.memref_slice %arg7[%select_n3A_74, %dma_start3A_203, %dma_start3A_204] : memref<2x6x112xi32, #tpu.memory_space<vmem>> -> memref<1x1x112xi32, #tpu.memory_space<vmem>>
      %dma_start3A_206 = tpu.memref_squeeze %dma_start3A_205 : memref<1x1x112xi32, #tpu.memory_space<vmem>> -> memref<112xi32, #tpu.memory_space<vmem>>
      %dma_start3A_207 = arith.constant 0 : i32
      %dma_start3A_208 = arith.constant 0 : i32
      %dma_start3A_209 = tpu.memref_slice %arg2[%dma_start3A_207, %dma_start3A_208] : memref<10000x128xf32, #tpu.memory_space<hbm>> -> memref<10000x128xf32, #tpu.memory_space<hbm>>
      tpu.enqueue_indirect_dma source(%dma_start3A_209 : memref<10000x128xf32, #tpu.memory_space<hbm>>) target(%arg11 : memref<112x128xf32, #tpu.memory_space<vmem>>) offsets(%dma_start3A_206 : memref<112xi32, #tpu.memory_space<vmem>>) semaphore(%arg15 : memref<!tpu.dma_semaphore, #tpu.memory_space<semaphore_mem>>)
      %dma_wait3A_210 = arith.constant 4 : i32
      %dma_wait3A_211 = arith.constant 0 : i32
      %dma_wait3A_212 = tpu.memref_slice %arg7[%select_n3A_74, %dma_wait3A_210, %dma_wait3A_211] : memref<2x6x112xi32, #tpu.memory_space<vmem>> -> memref<1x1x112xi32, #tpu.memory_space<vmem>>
      %dma_wait3A_213 = tpu.memref_squeeze %dma_wait3A_212 : memref<1x1x112xi32, #tpu.memory_space<vmem>> -> memref<112xi32, #tpu.memory_space<vmem>>
      %dma_wait3A_214 = arith.constant 0 : i32
      %dma_wait3A_215 = arith.constant 0 : i32
      %dma_wait3A_216 = tpu.memref_slice %arg2[%dma_wait3A_214, %dma_wait3A_215] : memref<10000x128xf32, #tpu.memory_space<hbm>> -> memref<10000x128xf32, #tpu.memory_space<hbm>>
      tpu.wait_indirect_dma semaphore(%arg14 : memref<!tpu.dma_semaphore, #tpu.memory_space<semaphore_mem>>) src(%dma_wait3A_216 : memref<10000x128xf32, #tpu.memory_space<hbm>>) dst(%arg10 : memref<112x128xf32, #tpu.memory_space<vmem>>)
      %dma_start3A_217 = arith.constant 4 : i32
      %dma_start3A_218 = arith.constant 0 : i32
      %dma_start3A_219 = tpu.memref_slice %arg8[%select_n3A_74, %dma_start3A_217, %dma_start3A_218] : memref<2x6x112xi32, #tpu.memory_space<vmem>> -> memref<1x1x112xi32, #tpu.memory_space<vmem>>
      %dma_start3A_220 = tpu.memref_squeeze %dma_start3A_219 : memref<1x1x112xi32, #tpu.memory_space<vmem>> -> memref<112xi32, #tpu.memory_space<vmem>>
      %dma_start3A_221 = arith.constant 0 : i32
      %dma_start3A_222 = arith.constant 0 : i32
      %dma_start3A_223 = tpu.memref_slice %arg12[%dma_start3A_221, %dma_start3A_222] : memref<10112x128xf32, #tpu.memory_space<vmem_shared>> -> memref<10112x128xf32, #tpu.memory_space<vmem_shared>>
      tpu.enqueue_indirect_dma source(%arg10 : memref<112x128xf32, #tpu.memory_space<vmem>>) target(%dma_start3A_223 : memref<10112x128xf32, #tpu.memory_space<vmem_shared>>) offsets(%dma_start3A_220 : memref<112xi32, #tpu.memory_space<vmem>>) semaphore(%arg17 : memref<!tpu.dma_semaphore, #tpu.memory_space<semaphore_mem>>) {add = true}
      %dma_wait3A_224 = arith.constant 0 : i32
      %dma_wait3A_225 = arith.constant 0 : i32
      %dma_wait3A_226 = arith.constant 0 : i32
      %dma_wait3A_227 = tpu.memref_slice %arg8[%dma_wait3A_224, %dma_wait3A_225, %dma_wait3A_226] : memref<2x6x112xi32, #tpu.memory_space<vmem>> -> memref<1x1x112xi32, #tpu.memory_space<vmem>>
      %dma_wait3A_228 = tpu.memref_squeeze %dma_wait3A_227 : memref<1x1x112xi32, #tpu.memory_space<vmem>> -> memref<112xi32, #tpu.memory_space<vmem>>
      %dma_wait3A_229 = arith.constant 0 : i32
      %dma_wait3A_230 = arith.constant 0 : i32
      %dma_wait3A_231 = tpu.memref_slice %arg12[%dma_wait3A_229, %dma_wait3A_230] : memref<10112x128xf32, #tpu.memory_space<vmem_shared>> -> memref<10112x128xf32, #tpu.memory_space<vmem_shared>>
      tpu.wait_indirect_dma semaphore(%arg16 : memref<!tpu.dma_semaphore, #tpu.memory_space<semaphore_mem>>) src(%arg9 : memref<112x128xf32, #tpu.memory_space<vmem>>) dst(%dma_wait3A_231 : memref<10112x128xf32, #tpu.memory_space<vmem_shared>>)
      %add3A_232 = arith.constant 1 : i32
      %add3A_233 = arith.addi %scan3A_62, %add3A_232 : i32
      %lt3A_234 = arith.constant 15 : i32
      %lt3A_235 = arith.cmpi slt, %add3A_233, %lt3A_234 : i32
      %convert_element_type3A_236 = arith.extui %lt3A_235 : i1 to i32
      %cond3A_237 = arith.constant 0 : i32
      %cond3A_238 = arith.cmpi ne, %convert_element_type3A_236, %cond3A_237 : i32
      scf.if %cond3A_238 {
        %add3A_268 = arith.constant 1 : i32
        %add3A_269 = arith.addi %scan3A_62, %add3A_268 : i32
        %dma_wait3A_270 = arith.constant 0 : i32
        %dma_wait3A_271 = arith.constant 0 : i32
        %dma_wait3A_272 = arith.constant 0 : i32
        %dma_wait3A_273 = tpu.memref_slice %arg7[%select_n3A_92, %dma_wait3A_271, %dma_wait3A_272] : memref<2x6x112xi32, #tpu.memory_space<vmem>> -> memref<1x6x112xi32, #tpu.memory_space<vmem>>
        %dma_wait3A_274 = tpu.memref_squeeze %dma_wait3A_273 : memref<1x6x112xi32, #tpu.memory_space<vmem>> -> memref<6x112xi32, #tpu.memory_space<vmem>>
        %dma_wait3A_275 = arith.constant 0 : i32
        %dma_wait3A_276 = arith.constant 0 : i32
        %dma_wait3A_277 = tpu.memref_slice %arg3[%dma_wait3A_270, %add3A, %add3A_269, %dma_wait3A_275, %dma_wait3A_276] : memref<2x32x15x6x112xi32, #tpu.memory_space<hbm>> -> memref<1x1x1x6x112xi32, #tpu.memory_space<hbm>>
        %dma_wait3A_278 = tpu.memref_squeeze %dma_wait3A_277 : memref<1x1x1x6x112xi32, #tpu.memory_space<hbm>> -> memref<6x112xi32, #tpu.memory_space<hbm>>
        %dma_wait3A_279 = arith.constant 0 : i32
        %dma_wait3A_280 = arith.constant 0 : i32
        %dma_wait3A_281 = tpu.memref_slice %arg7[%select_n3A_92, %dma_wait3A_279, %dma_wait3A_280] : memref<2x6x112xi32, #tpu.memory_space<vmem>> -> memref<1x6x112xi32, #tpu.memory_space<vmem>>
        %dma_wait3A_282 = tpu.memref_squeeze %dma_wait3A_281 : memref<1x6x112xi32, #tpu.memory_space<vmem>> -> memref<6x112xi32, #tpu.memory_space<vmem>>
        %dma_wait3A_283 = arith.constant 0 : i32
        %dma_wait3A_284 = arith.constant 0 : i32
        %dma_wait3A_285 = tpu.memref_slice %arg3[%dma_wait3A_270, %add3A, %add3A_269, %dma_wait3A_283, %dma_wait3A_284] : memref<2x32x15x6x112xi32, #tpu.memory_space<hbm>> -> memref<1x1x1x6x112xi32, #tpu.memory_space<hbm>>
        %dma_wait3A_286 = tpu.memref_squeeze %dma_wait3A_285 : memref<1x1x1x6x112xi32, #tpu.memory_space<hbm>> -> memref<6x112xi32, #tpu.memory_space<hbm>>
        tpu.wait_dma2 semaphore(%arg19 : memref<!tpu.dma_semaphore, #tpu.memory_space<semaphore_mem>>) src(%dma_wait3A_286 : memref<6x112xi32, #tpu.memory_space<hbm>>) dst(%dma_wait3A_282 : memref<6x112xi32, #tpu.memory_space<vmem>>)
        %add3A_287 = arith.constant 1 : i32
        %add3A_288 = arith.addi %scan3A_62, %add3A_287 : i32
        %dma_wait3A_289 = arith.constant 1 : i32
        %dma_wait3A_290 = arith.constant 0 : i32
        %dma_wait3A_291 = arith.constant 0 : i32
        %dma_wait3A_292 = tpu.memref_slice %arg8[%select_n3A_92, %dma_wait3A_290, %dma_wait3A_291] : memref<2x6x112xi32, #tpu.memory_space<vmem>> -> memref<1x6x112xi32, #tpu.memory_space<vmem>>
        %dma_wait3A_293 = tpu.memref_squeeze %dma_wait3A_292 : memref<1x6x112xi32, #tpu.memory_space<vmem>> -> memref<6x112xi32, #tpu.memory_space<vmem>>
        %dma_wait3A_294 = arith.constant 0 : i32
        %dma_wait3A_295 = arith.constant 0 : i32
        %dma_wait3A_296 = tpu.memref_slice %arg3[%dma_wait3A_289, %add3A, %add3A_288, %dma_wait3A_294, %dma_wait3A_295] : memref<2x32x15x6x112xi32, #tpu.memory_space<hbm>> -> memref<1x1x1x6x112xi32, #tpu.memory_space<hbm>>
        %dma_wait3A_297 = tpu.memref_squeeze %dma_wait3A_296 : memref<1x1x1x6x112xi32, #tpu.memory_space<hbm>> -> memref<6x112xi32, #tpu.memory_space<hbm>>
        %dma_wait3A_298 = arith.constant 0 : i32
        %dma_wait3A_299 = arith.constant 0 : i32
        %dma_wait3A_300 = tpu.memref_slice %arg8[%select_n3A_92, %dma_wait3A_298, %dma_wait3A_299] : memref<2x6x112xi32, #tpu.memory_space<vmem>> -> memref<1x6x112xi32, #tpu.memory_space<vmem>>
        %dma_wait3A_301 = tpu.memref_squeeze %dma_wait3A_300 : memref<1x6x112xi32, #tpu.memory_space<vmem>> -> memref<6x112xi32, #tpu.memory_space<vmem>>
        %dma_wait3A_302 = arith.constant 0 : i32
        %dma_wait3A_303 = arith.constant 0 : i32
        %dma_wait3A_304 = tpu.memref_slice %arg3[%dma_wait3A_289, %add3A, %add3A_288, %dma_wait3A_302, %dma_wait3A_303] : memref<2x32x15x6x112xi32, #tpu.memory_space<hbm>> -> memref<1x1x1x6x112xi32, #tpu.memory_space<hbm>>
        %dma_wait3A_305 = tpu.memref_squeeze %dma_wait3A_304 : memref<1x1x1x6x112xi32, #tpu.memory_space<hbm>> -> memref<6x112xi32, #tpu.memory_space<hbm>>
        tpu.wait_dma2 semaphore(%arg20 : memref<!tpu.dma_semaphore, #tpu.memory_space<semaphore_mem>>) src(%dma_wait3A_305 : memref<6x112xi32, #tpu.memory_space<hbm>>) dst(%dma_wait3A_301 : memref<6x112xi32, #tpu.memory_space<vmem>>)
        %dma_start3A_306 = arith.constant 0 : i32
        %dma_start3A_307 = arith.constant 0 : i32
        %dma_start3A_308 = tpu.memref_slice %arg7[%select_n3A_92, %dma_start3A_306, %dma_start3A_307] : memref<2x6x112xi32, #tpu.memory_space<vmem>> -> memref<1x1x112xi32, #tpu.memory_space<vmem>>
        %dma_start3A_309 = tpu.memref_squeeze %dma_start3A_308 : memref<1x1x112xi32, #tpu.memory_space<vmem>> -> memref<112xi32, #tpu.memory_space<vmem>>
        %dma_start3A_310 = arith.constant 0 : i32
        %dma_start3A_311 = arith.constant 0 : i32
        %dma_start3A_312 = tpu.memref_slice %arg2[%dma_start3A_310, %dma_start3A_311] : memref<10000x128xf32, #tpu.memory_space<hbm>> -> memref<10000x128xf32, #tpu.memory_space<hbm>>
        tpu.enqueue_indirect_dma source(%dma_start3A_312 : memref<10000x128xf32, #tpu.memory_space<hbm>>) target(%arg9 : memref<112x128xf32, #tpu.memory_space<vmem>>) offsets(%dma_start3A_309 : memref<112xi32, #tpu.memory_space<vmem>>) semaphore(%arg13 : memref<!tpu.dma_semaphore, #tpu.memory_space<semaphore_mem>>)
      } else {
      }
      %dma_wait3A_239 = arith.constant 5 : i32
      %dma_wait3A_240 = arith.constant 0 : i32
      %dma_wait3A_241 = tpu.memref_slice %arg7[%select_n3A_74, %dma_wait3A_239, %dma_wait3A_240] : memref<2x6x112xi32, #tpu.memory_space<vmem>> -> memref<1x1x112xi32, #tpu.memory_space<vmem>>
      %dma_wait3A_242 = tpu.memref_squeeze %dma_wait3A_241 : memref<1x1x112xi32, #tpu.memory_space<vmem>> -> memref<112xi32, #tpu.memory_space<vmem>>
      %dma_wait3A_243 = arith.constant 0 : i32
      %dma_wait3A_244 = arith.constant 0 : i32
      %dma_wait3A_245 = tpu.memref_slice %arg2[%dma_wait3A_243, %dma_wait3A_244] : memref<10000x128xf32, #tpu.memory_space<hbm>> -> memref<10000x128xf32, #tpu.memory_space<hbm>>
      tpu.wait_indirect_dma semaphore(%arg15 : memref<!tpu.dma_semaphore, #tpu.memory_space<semaphore_mem>>) src(%dma_wait3A_245 : memref<10000x128xf32, #tpu.memory_space<hbm>>) dst(%arg11 : memref<112x128xf32, #tpu.memory_space<vmem>>)
      %dma_start3A_246 = arith.constant 5 : i32
      %dma_start3A_247 = arith.constant 0 : i32
      %dma_start3A_248 = tpu.memref_slice %arg8[%select_n3A_74, %dma_start3A_246, %dma_start3A_247] : memref<2x6x112xi32, #tpu.memory_space<vmem>> -> memref<1x1x112xi32, #tpu.memory_space<vmem>>
      %dma_start3A_249 = tpu.memref_squeeze %dma_start3A_248 : memref<1x1x112xi32, #tpu.memory_space<vmem>> -> memref<112xi32, #tpu.memory_space<vmem>>
      %dma_start3A_250 = arith.constant 0 : i32
      %dma_start3A_251 = arith.constant 0 : i32
      %dma_start3A_252 = tpu.memref_slice %arg12[%dma_start3A_250, %dma_start3A_251] : memref<10112x128xf32, #tpu.memory_space<vmem_shared>> -> memref<10112x128xf32, #tpu.memory_space<vmem_shared>>
      tpu.enqueue_indirect_dma source(%arg11 : memref<112x128xf32, #tpu.memory_space<vmem>>) target(%dma_start3A_252 : memref<10112x128xf32, #tpu.memory_space<vmem_shared>>) offsets(%dma_start3A_249 : memref<112xi32, #tpu.memory_space<vmem>>) semaphore(%arg18 : memref<!tpu.dma_semaphore, #tpu.memory_space<semaphore_mem>>) {add = true}
      %dma_wait3A_253 = arith.constant 0 : i32
      %dma_wait3A_254 = arith.constant 0 : i32
      %dma_wait3A_255 = arith.constant 0 : i32
      %dma_wait3A_256 = tpu.memref_slice %arg8[%dma_wait3A_253, %dma_wait3A_254, %dma_wait3A_255] : memref<2x6x112xi32, #tpu.memory_space<vmem>> -> memref<1x1x112xi32, #tpu.memory_space<vmem>>
      %dma_wait3A_257 = tpu.memref_squeeze %dma_wait3A_256 : memref<1x1x112xi32, #tpu.memory_space<vmem>> -> memref<112xi32, #tpu.memory_space<vmem>>
      %dma_wait3A_258 = arith.constant 0 : i32
      %dma_wait3A_259 = arith.constant 0 : i32
      %dma_wait3A_260 = tpu.memref_slice %arg12[%dma_wait3A_258, %dma_wait3A_259] : memref<10112x128xf32, #tpu.memory_space<vmem_shared>> -> memref<10112x128xf32, #tpu.memory_space<vmem_shared>>
      tpu.wait_indirect_dma semaphore(%arg17 : memref<!tpu.dma_semaphore, #tpu.memory_space<semaphore_mem>>) src(%arg10 : memref<112x128xf32, #tpu.memory_space<vmem>>) dst(%dma_wait3A_260 : memref<10112x128xf32, #tpu.memory_space<vmem_shared>>)
      %add3A_261 = arith.constant 1 : i32
      %add3A_262 = arith.addi %scan3A_62, %add3A_261 : i32
      %lt3A_263 = arith.constant 15 : i32
      %lt3A_264 = arith.cmpi slt, %add3A_262, %lt3A_263 : i32
      %convert_element_type3A_265 = arith.extui %lt3A_264 : i1 to i32
      %cond3A_266 = arith.constant 0 : i32
      %cond3A_267 = arith.cmpi ne, %convert_element_type3A_265, %cond3A_266 : i32
      scf.if %cond3A_267 {
        %dma_start3A_268 = arith.constant 1 : i32
        %dma_start3A_269 = arith.constant 0 : i32
        %dma_start3A_270 = tpu.memref_slice %arg7[%select_n3A_92, %dma_start3A_268, %dma_start3A_269] : memref<2x6x112xi32, #tpu.memory_space<vmem>> -> memref<1x1x112xi32, #tpu.memory_space<vmem>>
        %dma_start3A_271 = tpu.memref_squeeze %dma_start3A_270 : memref<1x1x112xi32, #tpu.memory_space<vmem>> -> memref<112xi32, #tpu.memory_space<vmem>>
        %dma_start3A_272 = arith.constant 0 : i32
        %dma_start3A_273 = arith.constant 0 : i32
        %dma_start3A_274 = tpu.memref_slice %arg2[%dma_start3A_272, %dma_start3A_273] : memref<10000x128xf32, #tpu.memory_space<hbm>> -> memref<10000x128xf32, #tpu.memory_space<hbm>>
        tpu.enqueue_indirect_dma source(%dma_start3A_274 : memref<10000x128xf32, #tpu.memory_space<hbm>>) target(%arg10 : memref<112x128xf32, #tpu.memory_space<vmem>>) offsets(%dma_start3A_271 : memref<112xi32, #tpu.memory_space<vmem>>) semaphore(%arg14 : memref<!tpu.dma_semaphore, #tpu.memory_space<semaphore_mem>>)
      } else {
      }
    }
    %scan3A_43 = arith.constant 15 : i32
    %dma_wait3A = arith.constant 0 : i32
    %dma_wait3A_44 = arith.constant 0 : i32
    %dma_wait3A_45 = arith.constant 0 : i32
    %dma_wait3A_46 = tpu.memref_slice %arg8[%dma_wait3A, %dma_wait3A_44, %dma_wait3A_45] : memref<2x6x112xi32, #tpu.memory_space<vmem>> -> memref<1x1x112xi32, #tpu.memory_space<vmem>>
    %dma_wait3A_47 = tpu.memref_squeeze %dma_wait3A_46 : memref<1x1x112xi32, #tpu.memory_space<vmem>> -> memref<112xi32, #tpu.memory_space<vmem>>
    %dma_wait3A_48 = arith.constant 0 : i32
    %dma_wait3A_49 = arith.constant 0 : i32
    %dma_wait3A_50 = tpu.memref_slice %arg12[%dma_wait3A_48, %dma_wait3A_49] : memref<10112x128xf32, #tpu.memory_space<vmem_shared>> -> memref<10112x128xf32, #tpu.memory_space<vmem_shared>>
    tpu.wait_indirect_dma semaphore(%arg18 : memref<!tpu.dma_semaphore, #tpu.memory_space<semaphore_mem>>) src(%arg11 : memref<112x128xf32, #tpu.memory_space<vmem>>) dst(%dma_wait3A_50 : memref<10112x128xf32, #tpu.memory_space<vmem_shared>>)
    %barrier3A_51 = arith.constant 0 : index
    tpu.barrier barrier_id(%barrier3A_51)
    %eq3A_52 = arith.constant 0 : i32
    %eq3A_53 = arith.cmpi eq, %arg0, %eq3A_52 : i32
    %convert_element_type3A_54 = arith.extui %eq3A_53 : i1 to i32
    %cond3A_55 = arith.constant 0 : i32
    %cond3A_56 = arith.cmpi ne, %convert_element_type3A_54, %cond3A_55 : i32
    scf.if %cond3A_56 {
      "tpu.region"() ({
        %run_scoped3A_62 = tpu.sem_alloc : memref<!tpu.dma_semaphore, #tpu.memory_space<semaphore_mem>>
        %dma_start3A_63 = arith.constant 0 : i32
        %dma_start3A_64 = tpu.memref_slice %arg5[%mul3A_2, %dma_start3A_63] : memref<10112x128xf32, #tpu.memory_space<hbm>> -> memref<632x128xf32, #tpu.memory_space<hbm>>
        %dma_start3A_65 = arith.constant 0 : i32
        %dma_start3A_66 = tpu.memref_slice %arg12[%mul3A_2, %dma_start3A_65] : memref<10112x128xf32, #tpu.memory_space<vmem_shared>> -> memref<632x128xf32, #tpu.memory_space<vmem_shared>>
        tpu.enqueue_dma source(%dma_start3A_66 : memref<632x128xf32, #tpu.memory_space<vmem_shared>>) target(%dma_start3A_64 : memref<632x128xf32, #tpu.memory_space<hbm>>) target_semaphore(%run_scoped3A_62 : memref<!tpu.dma_semaphore, #tpu.memory_space<semaphore_mem>>)
        %dma_wait3A_67 = arith.constant 0 : i32
        %dma_wait3A_68 = tpu.memref_slice %arg5[%mul3A_2, %dma_wait3A_67] : memref<10112x128xf32, #tpu.memory_space<hbm>> -> memref<632x128xf32, #tpu.memory_space<hbm>>
        %dma_wait3A_69 = arith.constant 0 : i32
        %dma_wait3A_70 = tpu.memref_slice %arg12[%mul3A_2, %dma_wait3A_69] : memref<10112x128xf32, #tpu.memory_space<vmem_shared>> -> memref<632x128xf32, #tpu.memory_space<vmem_shared>>
        tpu.wait_dma2 semaphore(%run_scoped3A_62 : memref<!tpu.dma_semaphore, #tpu.memory_space<semaphore_mem>>) src(%dma_wait3A_70 : memref<632x128xf32, #tpu.memory_space<vmem_shared>>) dst(%dma_wait3A_68 : memref<632x128xf32, #tpu.memory_space<hbm>>)
        tpu.yield
      }) : () -> ()
    } else {
    }
    %eq3A_57 = arith.constant 1 : i32
    %eq3A_58 = arith.cmpi eq, %arg0, %eq3A_57 : i32
    %convert_element_type3A_59 = arith.extui %eq3A_58 : i1 to i32
    %cond3A_60 = arith.constant 0 : i32
    %cond3A_61 = arith.cmpi ne, %convert_element_type3A_59, %cond3A_60 : i32
    scf.if %cond3A_61 {
      "tpu.region"() ({
        %run_scoped3A_62 = tpu.sem_alloc : memref<!tpu.dma_semaphore, #tpu.memory_space<semaphore_mem>>
        %dma_start3A_63 = arith.constant 0 : i32
        %dma_start3A_64 = tpu.memref_slice %arg6[%mul3A_2, %dma_start3A_63] : memref<10112x128xf32, #tpu.memory_space<hbm>> -> memref<632x128xf32, #tpu.memory_space<hbm>>
        %dma_start3A_65 = arith.constant 0 : i32
        %dma_start3A_66 = tpu.memref_slice %arg12[%mul3A_2, %dma_start3A_65] : memref<10112x128xf32, #tpu.memory_space<vmem_shared>> -> memref<632x128xf32, #tpu.memory_space<vmem_shared>>
        tpu.enqueue_dma source(%dma_start3A_66 : memref<632x128xf32, #tpu.memory_space<vmem_shared>>) target(%dma_start3A_64 : memref<632x128xf32, #tpu.memory_space<hbm>>) target_semaphore(%run_scoped3A_62 : memref<!tpu.dma_semaphore, #tpu.memory_space<semaphore_mem>>)
        %dma_wait3A_67 = arith.constant 0 : i32
        %dma_wait3A_68 = tpu.memref_slice %arg6[%mul3A_2, %dma_wait3A_67] : memref<10112x128xf32, #tpu.memory_space<hbm>> -> memref<632x128xf32, #tpu.memory_space<hbm>>
        %dma_wait3A_69 = arith.constant 0 : i32
        %dma_wait3A_70 = tpu.memref_slice %arg12[%mul3A_2, %dma_wait3A_69] : memref<10112x128xf32, #tpu.memory_space<vmem_shared>> -> memref<632x128xf32, #tpu.memory_space<vmem_shared>>
        tpu.wait_dma2 semaphore(%run_scoped3A_62 : memref<!tpu.dma_semaphore, #tpu.memory_space<semaphore_mem>>) src(%dma_wait3A_70 : memref<632x128xf32, #tpu.memory_space<vmem_shared>>) dst(%dma_wait3A_68 : memref<632x128xf32, #tpu.memory_space<hbm>>)
        tpu.yield
      }) : () -> ()
    } else {
    }
    return
  }
}

#map = affine_map<(d0, d1) -> (0, 0)>
#map1 = affine_map<(d0, d1) -> (0, 0, 0, 0, 0)>
module attributes {stable_mosaic.version = 14 : i64} {
  func.func @_sc_aggregate(%arg0: i32, %arg1: i32, %arg2: memref<10000x128xf32, #tpu.memory_space<hbm>>, %arg3: memref<2x32x15x6x112xi32, #tpu.memory_space<hbm>>, %arg4: memref<632x128xf32, #tpu.memory_space<hbm>>, %arg5: memref<10112x128xf32, #tpu.memory_space<hbm>>, %arg6: memref<10112x128xf32, #tpu.memory_space<hbm>>, %arg7: memref<2x6x112xi32, #tpu.memory_space<vmem>>, %arg8: memref<2x6x112xi32, #tpu.memory_space<vmem>>, %arg9: memref<112x128xf32, #tpu.memory_space<vmem>>, %arg10: memref<112x128xf32, #tpu.memory_space<vmem>>, %arg11: memref<112x128xf32, #tpu.memory_space<vmem>>, %arg12: memref<10112x128xf32, #tpu.memory_space<vmem_shared>>, %arg13: memref<!tpu.dma_semaphore, #tpu.memory_space<semaphore_mem>>, %arg14: memref<!tpu.dma_semaphore, #tpu.memory_space<semaphore_mem>>, %arg15: memref<!tpu.dma_semaphore, #tpu.memory_space<semaphore_mem>>, %arg16: memref<!tpu.dma_semaphore, #tpu.memory_space<semaphore_mem>>, %arg17: memref<!tpu.dma_semaphore, #tpu.memory_space<semaphore_mem>>, %arg18: memref<!tpu.dma_semaphore, #tpu.memory_space<semaphore_mem>>, %arg19: memref<!tpu.dma_semaphore, #tpu.memory_space<semaphore_mem>>, %arg20: memref<!tpu.dma_semaphore, #tpu.memory_space<semaphore_mem>>) attributes {dimension_semantics = [#tpu.dimension_semantics<core_parallel>, #tpu.dimension_semantics<subcore_parallel>], iteration_bounds = array<i64: 2, 16>, scalar_prefetch = 0 : i64, scratch_operands = 14 : i64, tpu.core_type = #tpu.core_type<sc_vector_subcore>, window_params = [{transform_indices = #map}, {transform_indices = #map1}, {transform_indices = #map}, {transform_indices = #map}, {transform_indices = #map}]} {
    %mul3A = arith.constant 16 : i32
    %mul3A_0 = arith.muli %arg0, %mul3A : i32
    %add3A = arith.addi %mul3A_0, %arg1 : i32
    %mul3A_1 = arith.constant 632 : i32
    %mul3A_2 = arith.muli %arg1, %mul3A_1 : i32
    %run_scoped3A = arith.constant 0 : i32
    %run_scoped3A_3 = arith.constant 0 : i32
    %run_scoped3A_4 = arith.constant 0 : i32
    "tpu.region"() ({
      %run_scoped3A_62 = tpu.sem_alloc : memref<!tpu.dma_semaphore, #tpu.memory_space<semaphore_mem>>
      %dma_start3A_63 = arith.constant 0 : i32
      %dma_start3A_64 = arith.constant 0 : i32
      %dma_start3A_65 = tpu.memref_slice %arg7[%run_scoped3A_4, %dma_start3A_63, %dma_start3A_64] : memref<2x6x112xi32, #tpu.memory_space<vmem>> -> memref<1x6x112xi32, #tpu.memory_space<vmem>>
      %dma_start3A_66 = tpu.memref_squeeze %dma_start3A_65 : memref<1x6x112xi32, #tpu.memory_space<vmem>> -> memref<6x112xi32, #tpu.memory_space<vmem>>
      %dma_start3A_67 = arith.constant 0 : i32
      %dma_start3A_68 = arith.constant 0 : i32
      %dma_start3A_69 = tpu.memref_slice %arg3[%run_scoped3A, %add3A, %run_scoped3A_3, %dma_start3A_67, %dma_start3A_68] : memref<2x32x15x6x112xi32, #tpu.memory_space<hbm>> -> memref<1x1x1x6x112xi32, #tpu.memory_space<hbm>>
      %dma_start3A_70 = tpu.memref_squeeze %dma_start3A_69 : memref<1x1x1x6x112xi32, #tpu.memory_space<hbm>> -> memref<6x112xi32, #tpu.memory_space<hbm>>
      %dma_start3A_71 = arith.constant 0 : i32
      %dma_start3A_72 = arith.constant 0 : i32
      %dma_start3A_73 = tpu.memref_slice %arg7[%run_scoped3A_4, %dma_start3A_71, %dma_start3A_72] : memref<2x6x112xi32, #tpu.memory_space<vmem>> -> memref<1x6x112xi32, #tpu.memory_space<vmem>>
      %dma_start3A_74 = tpu.memref_squeeze %dma_start3A_73 : memref<1x6x112xi32, #tpu.memory_space<vmem>> -> memref<6x112xi32, #tpu.memory_space<vmem>>
      %dma_start3A_75 = arith.constant 0 : i32
      %dma_start3A_76 = arith.constant 0 : i32
      %dma_start3A_77 = tpu.memref_slice %arg3[%run_scoped3A, %add3A, %run_scoped3A_3, %dma_start3A_75, %dma_start3A_76] : memref<2x32x15x6x112xi32, #tpu.memory_space<hbm>> -> memref<1x1x1x6x112xi32, #tpu.memory_space<hbm>>
      %dma_start3A_78 = tpu.memref_squeeze %dma_start3A_77 : memref<1x1x1x6x112xi32, #tpu.memory_space<hbm>> -> memref<6x112xi32, #tpu.memory_space<hbm>>
      tpu.enqueue_dma source(%dma_start3A_78 : memref<6x112xi32, #tpu.memory_space<hbm>>) target(%dma_start3A_74 : memref<6x112xi32, #tpu.memory_space<vmem>>) target_semaphore(%run_scoped3A_62 : memref<!tpu.dma_semaphore, #tpu.memory_space<semaphore_mem>>)
      %dma_wait3A_79 = arith.constant 0 : i32
      %dma_wait3A_80 = arith.constant 0 : i32
      %dma_wait3A_81 = tpu.memref_slice %arg7[%run_scoped3A_4, %dma_wait3A_79, %dma_wait3A_80] : memref<2x6x112xi32, #tpu.memory_space<vmem>> -> memref<1x6x112xi32, #tpu.memory_space<vmem>>
      %dma_wait3A_82 = tpu.memref_squeeze %dma_wait3A_81 : memref<1x6x112xi32, #tpu.memory_space<vmem>> -> memref<6x112xi32, #tpu.memory_space<vmem>>
      %dma_wait3A_83 = arith.constant 0 : i32
      %dma_wait3A_84 = arith.constant 0 : i32
      %dma_wait3A_85 = tpu.memref_slice %arg3[%run_scoped3A, %add3A, %run_scoped3A_3, %dma_wait3A_83, %dma_wait3A_84] : memref<2x32x15x6x112xi32, #tpu.memory_space<hbm>> -> memref<1x1x1x6x112xi32, #tpu.memory_space<hbm>>
      %dma_wait3A_86 = tpu.memref_squeeze %dma_wait3A_85 : memref<1x1x1x6x112xi32, #tpu.memory_space<hbm>> -> memref<6x112xi32, #tpu.memory_space<hbm>>
      %dma_wait3A_87 = arith.constant 0 : i32
      %dma_wait3A_88 = arith.constant 0 : i32
      %dma_wait3A_89 = tpu.memref_slice %arg7[%run_scoped3A_4, %dma_wait3A_87, %dma_wait3A_88] : memref<2x6x112xi32, #tpu.memory_space<vmem>> -> memref<1x6x112xi32, #tpu.memory_space<vmem>>
      %dma_wait3A_90 = tpu.memref_squeeze %dma_wait3A_89 : memref<1x6x112xi32, #tpu.memory_space<vmem>> -> memref<6x112xi32, #tpu.memory_space<vmem>>
      %dma_wait3A_91 = arith.constant 0 : i32
      %dma_wait3A_92 = arith.constant 0 : i32
      %dma_wait3A_93 = tpu.memref_slice %arg3[%run_scoped3A, %add3A, %run_scoped3A_3, %dma_wait3A_91, %dma_wait3A_92] : memref<2x32x15x6x112xi32, #tpu.memory_space<hbm>> -> memref<1x1x1x6x112xi32, #tpu.memory_space<hbm>>
      %dma_wait3A_94 = tpu.memref_squeeze %dma_wait3A_93 : memref<1x1x1x6x112xi32, #tpu.memory_space<hbm>> -> memref<6x112xi32, #tpu.memory_space<hbm>>
      tpu.wait_dma2 semaphore(%run_scoped3A_62 : memref<!tpu.dma_semaphore, #tpu.memory_space<semaphore_mem>>) src(%dma_wait3A_94 : memref<6x112xi32, #tpu.memory_space<hbm>>) dst(%dma_wait3A_90 : memref<6x112xi32, #tpu.memory_space<vmem>>)
      tpu.yield
    }) : () -> ()
    %run_scoped3A_5 = arith.constant 1 : i32
    %run_scoped3A_6 = arith.constant 0 : i32
    %run_scoped3A_7 = arith.constant 0 : i32
    "tpu.region"() ({
      %run_scoped3A_62 = tpu.sem_alloc : memref<!tpu.dma_semaphore, #tpu.memory_space<semaphore_mem>>
      %dma_start3A_63 = arith.constant 0 : i32
      %dma_start3A_64 = arith.constant 0 : i32
      %dma_start3A_65 = tpu.memref_slice %arg8[%run_scoped3A_7, %dma_start3A_63, %dma_start3A_64] : memref<2x6x112xi32, #tpu.memory_space<vmem>> -> memref<1x6x112xi32, #tpu.memory_space<vmem>>
      %dma_start3A_66 = tpu.memref_squeeze %dma_start3A_65 : memref<1x6x112xi32, #tpu.memory_space<vmem>> -> memref<6x112xi32, #tpu.memory_space<vmem>>
      %dma_start3A_67 = arith.constant 0 : i32
      %dma_start3A_68 = arith.constant 0 : i32
      %dma_start3A_69 = tpu.memref_slice %arg3[%run_scoped3A_5, %add3A, %run_scoped3A_6, %dma_start3A_67, %dma_start3A_68] : memref<2x32x15x6x112xi32, #tpu.memory_space<hbm>> -> memref<1x1x1x6x112xi32, #tpu.memory_space<hbm>>
      %dma_start3A_70 = tpu.memref_squeeze %dma_start3A_69 : memref<1x1x1x6x112xi32, #tpu.memory_space<hbm>> -> memref<6x112xi32, #tpu.memory_space<hbm>>
      %dma_start3A_71 = arith.constant 0 : i32
      %dma_start3A_72 = arith.constant 0 : i32
      %dma_start3A_73 = tpu.memref_slice %arg8[%run_scoped3A_7, %dma_start3A_71, %dma_start3A_72] : memref<2x6x112xi32, #tpu.memory_space<vmem>> -> memref<1x6x112xi32, #tpu.memory_space<vmem>>
      %dma_start3A_74 = tpu.memref_squeeze %dma_start3A_73 : memref<1x6x112xi32, #tpu.memory_space<vmem>> -> memref<6x112xi32, #tpu.memory_space<vmem>>
      %dma_start3A_75 = arith.constant 0 : i32
      %dma_start3A_76 = arith.constant 0 : i32
      %dma_start3A_77 = tpu.memref_slice %arg3[%run_scoped3A_5, %add3A, %run_scoped3A_6, %dma_start3A_75, %dma_start3A_76] : memref<2x32x15x6x112xi32, #tpu.memory_space<hbm>> -> memref<1x1x1x6x112xi32, #tpu.memory_space<hbm>>
      %dma_start3A_78 = tpu.memref_squeeze %dma_start3A_77 : memref<1x1x1x6x112xi32, #tpu.memory_space<hbm>> -> memref<6x112xi32, #tpu.memory_space<hbm>>
      tpu.enqueue_dma source(%dma_start3A_78 : memref<6x112xi32, #tpu.memory_space<hbm>>) target(%dma_start3A_74 : memref<6x112xi32, #tpu.memory_space<vmem>>) target_semaphore(%run_scoped3A_62 : memref<!tpu.dma_semaphore, #tpu.memory_space<semaphore_mem>>)
      %dma_wait3A_79 = arith.constant 0 : i32
      %dma_wait3A_80 = arith.constant 0 : i32
      %dma_wait3A_81 = tpu.memref_slice %arg8[%run_scoped3A_7, %dma_wait3A_79, %dma_wait3A_80] : memref<2x6x112xi32, #tpu.memory_space<vmem>> -> memref<1x6x112xi32, #tpu.memory_space<vmem>>
      %dma_wait3A_82 = tpu.memref_squeeze %dma_wait3A_81 : memref<1x6x112xi32, #tpu.memory_space<vmem>> -> memref<6x112xi32, #tpu.memory_space<vmem>>
      %dma_wait3A_83 = arith.constant 0 : i32
      %dma_wait3A_84 = arith.constant 0 : i32
      %dma_wait3A_85 = tpu.memref_slice %arg3[%run_scoped3A_5, %add3A, %run_scoped3A_6, %dma_wait3A_83, %dma_wait3A_84] : memref<2x32x15x6x112xi32, #tpu.memory_space<hbm>> -> memref<1x1x1x6x112xi32, #tpu.memory_space<hbm>>
      %dma_wait3A_86 = tpu.memref_squeeze %dma_wait3A_85 : memref<1x1x1x6x112xi32, #tpu.memory_space<hbm>> -> memref<6x112xi32, #tpu.memory_space<hbm>>
      %dma_wait3A_87 = arith.constant 0 : i32
      %dma_wait3A_88 = arith.constant 0 : i32
      %dma_wait3A_89 = tpu.memref_slice %arg8[%run_scoped3A_7, %dma_wait3A_87, %dma_wait3A_88] : memref<2x6x112xi32, #tpu.memory_space<vmem>> -> memref<1x6x112xi32, #tpu.memory_space<vmem>>
      %dma_wait3A_90 = tpu.memref_squeeze %dma_wait3A_89 : memref<1x6x112xi32, #tpu.memory_space<vmem>> -> memref<6x112xi32, #tpu.memory_space<vmem>>
      %dma_wait3A_91 = arith.constant 0 : i32
      %dma_wait3A_92 = arith.constant 0 : i32
      %dma_wait3A_93 = tpu.memref_slice %arg3[%run_scoped3A_5, %add3A, %run_scoped3A_6, %dma_wait3A_91, %dma_wait3A_92] : memref<2x32x15x6x112xi32, #tpu.memory_space<hbm>> -> memref<1x1x1x6x112xi32, #tpu.memory_space<hbm>>
      %dma_wait3A_94 = tpu.memref_squeeze %dma_wait3A_93 : memref<1x1x1x6x112xi32, #tpu.memory_space<hbm>> -> memref<6x112xi32, #tpu.memory_space<hbm>>
      tpu.wait_dma2 semaphore(%run_scoped3A_62 : memref<!tpu.dma_semaphore, #tpu.memory_space<semaphore_mem>>) src(%dma_wait3A_94 : memref<6x112xi32, #tpu.memory_space<hbm>>) dst(%dma_wait3A_90 : memref<6x112xi32, #tpu.memory_space<vmem>>)
      tpu.yield
    }) : () -> ()
    %dma_start3A = arith.constant 0 : i32
    %dma_start3A_8 = arith.constant 0 : i32
    %dma_start3A_9 = arith.constant 0 : i32
    %dma_start3A_10 = tpu.memref_slice %arg7[%dma_start3A, %dma_start3A_8, %dma_start3A_9] : memref<2x6x112xi32, #tpu.memory_space<vmem>> -> memref<1x1x112xi32, #tpu.memory_space<vmem>>
    %dma_start3A_11 = tpu.memref_squeeze %dma_start3A_10 : memref<1x1x112xi32, #tpu.memory_space<vmem>> -> memref<112xi32, #tpu.memory_space<vmem>>
    %dma_start3A_12 = arith.constant 0 : i32
    %dma_start3A_13 = arith.constant 0 : i32
    %dma_start3A_14 = tpu.memref_slice %arg2[%dma_start3A_12, %dma_start3A_13] : memref<10000x128xf32, #tpu.memory_space<hbm>> -> memref<10000x128xf32, #tpu.memory_space<hbm>>
    tpu.enqueue_indirect_dma source(%dma_start3A_14 : memref<10000x128xf32, #tpu.memory_space<hbm>>) target(%arg9 : memref<112x128xf32, #tpu.memory_space<vmem>>) offsets(%dma_start3A_11 : memref<112xi32, #tpu.memory_space<vmem>>) semaphore(%arg13 : memref<!tpu.dma_semaphore, #tpu.memory_space<semaphore_mem>>)
    %dma_start3A_15 = arith.constant 0 : i32
    %dma_start3A_16 = arith.constant 1 : i32
    %dma_start3A_17 = arith.constant 0 : i32
    %dma_start3A_18 = tpu.memref_slice %arg7[%dma_start3A_15, %dma_start3A_16, %dma_start3A_17] : memref<2x6x112xi32, #tpu.memory_space<vmem>> -> memref<1x1x112xi32, #tpu.memory_space<vmem>>
    %dma_start3A_19 = tpu.memref_squeeze %dma_start3A_18 : memref<1x1x112xi32, #tpu.memory_space<vmem>> -> memref<112xi32, #tpu.memory_space<vmem>>
    %dma_start3A_20 = arith.constant 0 : i32
    %dma_start3A_21 = arith.constant 0 : i32
    %dma_start3A_22 = tpu.memref_slice %arg2[%dma_start3A_20, %dma_start3A_21] : memref<10000x128xf32, #tpu.memory_space<hbm>> -> memref<10000x128xf32, #tpu.memory_space<hbm>>
    tpu.enqueue_indirect_dma source(%dma_start3A_22 : memref<10000x128xf32, #tpu.memory_space<hbm>>) target(%arg10 : memref<112x128xf32, #tpu.memory_space<vmem>>) offsets(%dma_start3A_19 : memref<112xi32, #tpu.memory_space<vmem>>) semaphore(%arg14 : memref<!tpu.dma_semaphore, #tpu.memory_space<semaphore_mem>>)
    %eq3A = arith.constant 0 : i32
    %eq3A_23 = arith.cmpi eq, %arg0, %eq3A : i32
    %lt3A = arith.constant 15 : i32
    %lt3A_24 = arith.cmpi slt, %arg1, %lt3A : i32
    %and3A = arith.andi %eq3A_23, %lt3A_24 : i1
    %convert_element_type3A = arith.extui %and3A : i1 to i32
    %cond3A = arith.constant 0 : i32
    %cond3A_25 = arith.cmpi ne, %convert_element_type3A, %cond3A : i32
    scf.if %cond3A_25 {
      "tpu.region"() ({
        %run_scoped3A_62 = tpu.sem_alloc : memref<!tpu.dma_semaphore, #tpu.memory_space<semaphore_mem>>
        %dma_start3A_63 = arith.constant 0 : i32
        %dma_start3A_64 = tpu.memref_slice %arg12[%mul3A_2, %dma_start3A_63] : memref<10112x128xf32, #tpu.memory_space<vmem_shared>> -> memref<632x128xf32, #tpu.memory_space<vmem_shared>>
        %dma_start3A_65 = arith.constant 0 : i32
        %dma_start3A_66 = tpu.memref_slice %arg2[%mul3A_2, %dma_start3A_65] : memref<10000x128xf32, #tpu.memory_space<hbm>> -> memref<632x128xf32, #tpu.memory_space<hbm>>
        tpu.enqueue_dma source(%dma_start3A_66 : memref<632x128xf32, #tpu.memory_space<hbm>>) target(%dma_start3A_64 : memref<632x128xf32, #tpu.memory_space<vmem_shared>>) target_semaphore(%run_scoped3A_62 : memref<!tpu.dma_semaphore, #tpu.memory_space<semaphore_mem>>)
        %dma_wait3A_67 = arith.constant 0 : i32
        %dma_wait3A_68 = tpu.memref_slice %arg12[%mul3A_2, %dma_wait3A_67] : memref<10112x128xf32, #tpu.memory_space<vmem_shared>> -> memref<632x128xf32, #tpu.memory_space<vmem_shared>>
        %dma_wait3A_69 = arith.constant 0 : i32
        %dma_wait3A_70 = tpu.memref_slice %arg2[%mul3A_2, %dma_wait3A_69] : memref<10000x128xf32, #tpu.memory_space<hbm>> -> memref<632x128xf32, #tpu.memory_space<hbm>>
        tpu.wait_dma2 semaphore(%run_scoped3A_62 : memref<!tpu.dma_semaphore, #tpu.memory_space<semaphore_mem>>) src(%dma_wait3A_70 : memref<632x128xf32, #tpu.memory_space<hbm>>) dst(%dma_wait3A_68 : memref<632x128xf32, #tpu.memory_space<vmem_shared>>)
        tpu.yield
      }) : () -> ()
    } else {
    }
    %eq3A_26 = arith.constant 0 : i32
    %eq3A_27 = arith.cmpi eq, %arg0, %eq3A_26 : i32
    %eq3A_28 = arith.constant 15 : i32
    %eq3A_29 = arith.cmpi eq, %arg1, %eq3A_28 : i32
    %and3A_30 = arith.andi %eq3A_27, %eq3A_29 : i1
    %convert_element_type3A_31 = arith.extui %and3A_30 : i1 to i32
    %cond3A_32 = arith.constant 0 : i32
    %cond3A_33 = arith.cmpi ne, %convert_element_type3A_31, %cond3A_32 : i32
    scf.if %cond3A_33 {
      "tpu.region"() ({
        %run_scoped3A_64 = tpu.sem_alloc : memref<!tpu.dma_semaphore, #tpu.memory_space<semaphore_mem>>
        %dma_start3A_65 = arith.constant 0 : i32
        %dma_start3A_66 = tpu.memref_slice %arg12[%mul3A_2, %dma_start3A_65] : memref<10112x128xf32, #tpu.memory_space<vmem_shared>> -> memref<520x128xf32, #tpu.memory_space<vmem_shared>>
        %dma_start3A_67 = arith.constant 0 : i32
        %dma_start3A_68 = tpu.memref_slice %arg2[%mul3A_2, %dma_start3A_67] : memref<10000x128xf32, #tpu.memory_space<hbm>> -> memref<520x128xf32, #tpu.memory_space<hbm>>
        tpu.enqueue_dma source(%dma_start3A_68 : memref<520x128xf32, #tpu.memory_space<hbm>>) target(%dma_start3A_66 : memref<520x128xf32, #tpu.memory_space<vmem_shared>>) target_semaphore(%run_scoped3A_64 : memref<!tpu.dma_semaphore, #tpu.memory_space<semaphore_mem>>)
        %dma_wait3A_69 = arith.constant 0 : i32
        %dma_wait3A_70 = tpu.memref_slice %arg12[%mul3A_2, %dma_wait3A_69] : memref<10112x128xf32, #tpu.memory_space<vmem_shared>> -> memref<520x128xf32, #tpu.memory_space<vmem_shared>>
        %dma_wait3A_71 = arith.constant 0 : i32
        %dma_wait3A_72 = tpu.memref_slice %arg2[%mul3A_2, %dma_wait3A_71] : memref<10000x128xf32, #tpu.memory_space<hbm>> -> memref<520x128xf32, #tpu.memory_space<hbm>>
        tpu.wait_dma2 semaphore(%run_scoped3A_64 : memref<!tpu.dma_semaphore, #tpu.memory_space<semaphore_mem>>) src(%dma_wait3A_72 : memref<520x128xf32, #tpu.memory_space<hbm>>) dst(%dma_wait3A_70 : memref<520x128xf32, #tpu.memory_space<vmem_shared>>)
        tpu.yield
      }) : () -> ()
      %add3A_62 = arith.constant 520 : i32
      %add3A_63 = arith.addi %mul3A_2, %add3A_62 : i32
      "tpu.region"() ({
        %run_scoped3A_64 = tpu.sem_alloc : memref<!tpu.dma_semaphore, #tpu.memory_space<semaphore_mem>>
        %dma_start3A_65 = arith.constant 0 : i32
        %dma_start3A_66 = tpu.memref_slice %arg12[%add3A_63, %dma_start3A_65] : memref<10112x128xf32, #tpu.memory_space<vmem_shared>> -> memref<112x128xf32, #tpu.memory_space<vmem_shared>>
        %dma_start3A_67 = arith.constant 0 : i32
        %dma_start3A_68 = arith.constant 0 : i32
        %dma_start3A_69 = tpu.memref_slice %arg4[%dma_start3A_67, %dma_start3A_68] : memref<632x128xf32, #tpu.memory_space<hbm>> -> memref<112x128xf32, #tpu.memory_space<hbm>>
        tpu.enqueue_dma source(%dma_start3A_69 : memref<112x128xf32, #tpu.memory_space<hbm>>) target(%dma_start3A_66 : memref<112x128xf32, #tpu.memory_space<vmem_shared>>) target_semaphore(%run_scoped3A_64 : memref<!tpu.dma_semaphore, #tpu.memory_space<semaphore_mem>>)
        %dma_wait3A_70 = arith.constant 0 : i32
        %dma_wait3A_71 = tpu.memref_slice %arg12[%add3A_63, %dma_wait3A_70] : memref<10112x128xf32, #tpu.memory_space<vmem_shared>> -> memref<112x128xf32, #tpu.memory_space<vmem_shared>>
        %dma_wait3A_72 = arith.constant 0 : i32
        %dma_wait3A_73 = arith.constant 0 : i32
        %dma_wait3A_74 = tpu.memref_slice %arg4[%dma_wait3A_72, %dma_wait3A_73] : memref<632x128xf32, #tpu.memory_space<hbm>> -> memref<112x128xf32, #tpu.memory_space<hbm>>
        tpu.wait_dma2 semaphore(%run_scoped3A_64 : memref<!tpu.dma_semaphore, #tpu.memory_space<semaphore_mem>>) src(%dma_wait3A_74 : memref<112x128xf32, #tpu.memory_space<hbm>>) dst(%dma_wait3A_71 : memref<112x128xf32, #tpu.memory_space<vmem_shared>>)
        tpu.yield
      }) : () -> ()
    } else {
    }
    %eq3A_34 = arith.constant 1 : i32
    %eq3A_35 = arith.cmpi eq, %arg0, %eq3A_34 : i32
    %convert_element_type3A_36 = arith.extui %eq3A_35 : i1 to i32
    %cond3A_37 = arith.constant 0 : i32
    %cond3A_38 = arith.cmpi ne, %convert_element_type3A_36, %cond3A_37 : i32
    scf.if %cond3A_38 {
      "tpu.region"() ({
        %run_scoped3A_62 = tpu.sem_alloc : memref<!tpu.dma_semaphore, #tpu.memory_space<semaphore_mem>>
        %dma_start3A_63 = arith.constant 0 : i32
        %dma_start3A_64 = tpu.memref_slice %arg12[%mul3A_2, %dma_start3A_63] : memref<10112x128xf32, #tpu.memory_space<vmem_shared>> -> memref<632x128xf32, #tpu.memory_space<vmem_shared>>
        tpu.enqueue_dma source(%arg4 : memref<632x128xf32, #tpu.memory_space<hbm>>) target(%dma_start3A_64 : memref<632x128xf32, #tpu.memory_space<vmem_shared>>) target_semaphore(%run_scoped3A_62 : memref<!tpu.dma_semaphore, #tpu.memory_space<semaphore_mem>>)
        %dma_wait3A_65 = arith.constant 0 : i32
        %dma_wait3A_66 = tpu.memref_slice %arg12[%mul3A_2, %dma_wait3A_65] : memref<10112x128xf32, #tpu.memory_space<vmem_shared>> -> memref<632x128xf32, #tpu.memory_space<vmem_shared>>
        tpu.wait_dma2 semaphore(%run_scoped3A_62 : memref<!tpu.dma_semaphore, #tpu.memory_space<semaphore_mem>>) src(%arg4 : memref<632x128xf32, #tpu.memory_space<hbm>>) dst(%dma_wait3A_66 : memref<632x128xf32, #tpu.memory_space<vmem_shared>>)
        tpu.yield
      }) : () -> ()
    } else {
    }
    %barrier3A = arith.constant 0 : index
    tpu.barrier barrier_id(%barrier3A)
    %scan3A = arith.constant 0 : i32
    %scan3A_39 = arith.constant 0 : i32
    %scan3A_40 = arith.constant 15 : i32
    %scan3A_41 = arith.addi %scan3A_39, %scan3A_40 : i32
    %scan3A_42 = arith.constant 1 : i32
    scf.for %scan3A_62 = %scan3A_39 to %scan3A_41 step %scan3A_42  : i32 {
      %jit3A = arith.constant 2 : i32
      %eq3A_63 = arith.constant 0 : i32
      %eq3A_64 = arith.cmpi eq, %jit3A, %eq3A_63 : i32
      %jit3A_65 = arith.constant 1 : i32
      %select_n3A = arith.select %eq3A_64, %jit3A_65, %jit3A : i32
      %rem3A = arith.remsi %scan3A_62, %select_n3A : i32
      %ne3A = arith.constant 0 : i32
      %ne3A_66 = arith.cmpi ne, %rem3A, %ne3A : i32
      %lt3A_67 = arith.constant 0 : i32
      %lt3A_68 = arith.cmpi slt, %rem3A, %lt3A_67 : i32
      %lt3A_69 = arith.constant 0 : i32
      %lt3A_70 = arith.cmpi slt, %select_n3A, %lt3A_69 : i32
      %ne3A_71 = arith.xori %lt3A_68, %lt3A_70 : i1
      %and3A_72 = arith.andi %ne3A_71, %ne3A_66 : i1
      %add3A_73 = arith.addi %rem3A, %select_n3A : i32
      %select_n3A_74 = arith.select %and3A_72, %add3A_73, %rem3A : i32
      %add3A_75 = arith.constant 1 : i32
      %add3A_76 = arith.addi %scan3A_62, %add3A_75 : i32
      %jit3A_77 = arith.constant 2 : i32
      %eq3A_78 = arith.constant 0 : i32
      %eq3A_79 = arith.cmpi eq, %jit3A_77, %eq3A_78 : i32
      %jit3A_80 = arith.constant 1 : i32
      %select_n3A_81 = arith.select %eq3A_79, %jit3A_80, %jit3A_77 : i32
      %rem3A_82 = arith.remsi %add3A_76, %select_n3A_81 : i32
      %ne3A_83 = arith.constant 0 : i32
      %ne3A_84 = arith.cmpi ne, %rem3A_82, %ne3A_83 : i32
      %lt3A_85 = arith.constant 0 : i32
      %lt3A_86 = arith.cmpi slt, %rem3A_82, %lt3A_85 : i32
      %lt3A_87 = arith.constant 0 : i32
      %lt3A_88 = arith.cmpi slt, %select_n3A_81, %lt3A_87 : i32
      %ne3A_89 = arith.xori %lt3A_86, %lt3A_88 : i1
      %and3A_90 = arith.andi %ne3A_89, %ne3A_84 : i1
      %add3A_91 = arith.addi %rem3A_82, %select_n3A_81 : i32
      %select_n3A_92 = arith.select %and3A_90, %add3A_91, %rem3A_82 : i32
      %add3A_93 = arith.constant 1 : i32
      %add3A_94 = arith.addi %scan3A_62, %add3A_93 : i32
      %lt3A_95 = arith.constant 15 : i32
      %lt3A_96 = arith.cmpi slt, %add3A_94, %lt3A_95 : i32
      %convert_element_type3A_97 = arith.extui %lt3A_96 : i1 to i32
      %cond3A_98 = arith.constant 0 : i32
      %cond3A_99 = arith.cmpi ne, %convert_element_type3A_97, %cond3A_98 : i32
      scf.if %cond3A_99 {
        %add3A_268 = arith.constant 1 : i32
        %add3A_269 = arith.addi %scan3A_62, %add3A_268 : i32
        %dma_start3A_270 = arith.constant 0 : i32
        %dma_start3A_271 = arith.constant 0 : i32
        %dma_start3A_272 = arith.constant 0 : i32
        %dma_start3A_273 = tpu.memref_slice %arg7[%select_n3A_92, %dma_start3A_271, %dma_start3A_272] : memref<2x6x112xi32, #tpu.memory_space<vmem>> -> memref<1x6x112xi32, #tpu.memory_space<vmem>>
        %dma_start3A_274 = tpu.memref_squeeze %dma_start3A_273 : memref<1x6x112xi32, #tpu.memory_space<vmem>> -> memref<6x112xi32, #tpu.memory_space<vmem>>
        %dma_start3A_275 = arith.constant 0 : i32
        %dma_start3A_276 = arith.constant 0 : i32
        %dma_start3A_277 = tpu.memref_slice %arg3[%dma_start3A_270, %add3A, %add3A_269, %dma_start3A_275, %dma_start3A_276] : memref<2x32x15x6x112xi32, #tpu.memory_space<hbm>> -> memref<1x1x1x6x112xi32, #tpu.memory_space<hbm>>
        %dma_start3A_278 = tpu.memref_squeeze %dma_start3A_277 : memref<1x1x1x6x112xi32, #tpu.memory_space<hbm>> -> memref<6x112xi32, #tpu.memory_space<hbm>>
        %dma_start3A_279 = arith.constant 0 : i32
        %dma_start3A_280 = arith.constant 0 : i32
        %dma_start3A_281 = tpu.memref_slice %arg7[%select_n3A_92, %dma_start3A_279, %dma_start3A_280] : memref<2x6x112xi32, #tpu.memory_space<vmem>> -> memref<1x6x112xi32, #tpu.memory_space<vmem>>
        %dma_start3A_282 = tpu.memref_squeeze %dma_start3A_281 : memref<1x6x112xi32, #tpu.memory_space<vmem>> -> memref<6x112xi32, #tpu.memory_space<vmem>>
        %dma_start3A_283 = arith.constant 0 : i32
        %dma_start3A_284 = arith.constant 0 : i32
        %dma_start3A_285 = tpu.memref_slice %arg3[%dma_start3A_270, %add3A, %add3A_269, %dma_start3A_283, %dma_start3A_284] : memref<2x32x15x6x112xi32, #tpu.memory_space<hbm>> -> memref<1x1x1x6x112xi32, #tpu.memory_space<hbm>>
        %dma_start3A_286 = tpu.memref_squeeze %dma_start3A_285 : memref<1x1x1x6x112xi32, #tpu.memory_space<hbm>> -> memref<6x112xi32, #tpu.memory_space<hbm>>
        tpu.enqueue_dma source(%dma_start3A_286 : memref<6x112xi32, #tpu.memory_space<hbm>>) target(%dma_start3A_282 : memref<6x112xi32, #tpu.memory_space<vmem>>) target_semaphore(%arg19 : memref<!tpu.dma_semaphore, #tpu.memory_space<semaphore_mem>>)
        %add3A_287 = arith.constant 1 : i32
        %add3A_288 = arith.addi %scan3A_62, %add3A_287 : i32
        %dma_start3A_289 = arith.constant 1 : i32
        %dma_start3A_290 = arith.constant 0 : i32
        %dma_start3A_291 = arith.constant 0 : i32
        %dma_start3A_292 = tpu.memref_slice %arg8[%select_n3A_92, %dma_start3A_290, %dma_start3A_291] : memref<2x6x112xi32, #tpu.memory_space<vmem>> -> memref<1x6x112xi32, #tpu.memory_space<vmem>>
        %dma_start3A_293 = tpu.memref_squeeze %dma_start3A_292 : memref<1x6x112xi32, #tpu.memory_space<vmem>> -> memref<6x112xi32, #tpu.memory_space<vmem>>
        %dma_start3A_294 = arith.constant 0 : i32
        %dma_start3A_295 = arith.constant 0 : i32
        %dma_start3A_296 = tpu.memref_slice %arg3[%dma_start3A_289, %add3A, %add3A_288, %dma_start3A_294, %dma_start3A_295] : memref<2x32x15x6x112xi32, #tpu.memory_space<hbm>> -> memref<1x1x1x6x112xi32, #tpu.memory_space<hbm>>
        %dma_start3A_297 = tpu.memref_squeeze %dma_start3A_296 : memref<1x1x1x6x112xi32, #tpu.memory_space<hbm>> -> memref<6x112xi32, #tpu.memory_space<hbm>>
        %dma_start3A_298 = arith.constant 0 : i32
        %dma_start3A_299 = arith.constant 0 : i32
        %dma_start3A_300 = tpu.memref_slice %arg8[%select_n3A_92, %dma_start3A_298, %dma_start3A_299] : memref<2x6x112xi32, #tpu.memory_space<vmem>> -> memref<1x6x112xi32, #tpu.memory_space<vmem>>
        %dma_start3A_301 = tpu.memref_squeeze %dma_start3A_300 : memref<1x6x112xi32, #tpu.memory_space<vmem>> -> memref<6x112xi32, #tpu.memory_space<vmem>>
        %dma_start3A_302 = arith.constant 0 : i32
        %dma_start3A_303 = arith.constant 0 : i32
        %dma_start3A_304 = tpu.memref_slice %arg3[%dma_start3A_289, %add3A, %add3A_288, %dma_start3A_302, %dma_start3A_303] : memref<2x32x15x6x112xi32, #tpu.memory_space<hbm>> -> memref<1x1x1x6x112xi32, #tpu.memory_space<hbm>>
        %dma_start3A_305 = tpu.memref_squeeze %dma_start3A_304 : memref<1x1x1x6x112xi32, #tpu.memory_space<hbm>> -> memref<6x112xi32, #tpu.memory_space<hbm>>
        tpu.enqueue_dma source(%dma_start3A_305 : memref<6x112xi32, #tpu.memory_space<hbm>>) target(%dma_start3A_301 : memref<6x112xi32, #tpu.memory_space<vmem>>) target_semaphore(%arg20 : memref<!tpu.dma_semaphore, #tpu.memory_space<semaphore_mem>>)
      } else {
      }
      %dma_wait3A_100 = arith.constant 0 : i32
      %dma_wait3A_101 = arith.constant 0 : i32
      %dma_wait3A_102 = tpu.memref_slice %arg7[%select_n3A_74, %dma_wait3A_100, %dma_wait3A_101] : memref<2x6x112xi32, #tpu.memory_space<vmem>> -> memref<1x1x112xi32, #tpu.memory_space<vmem>>
      %dma_wait3A_103 = tpu.memref_squeeze %dma_wait3A_102 : memref<1x1x112xi32, #tpu.memory_space<vmem>> -> memref<112xi32, #tpu.memory_space<vmem>>
      %dma_wait3A_104 = arith.constant 0 : i32
      %dma_wait3A_105 = arith.constant 0 : i32
      %dma_wait3A_106 = tpu.memref_slice %arg2[%dma_wait3A_104, %dma_wait3A_105] : memref<10000x128xf32, #tpu.memory_space<hbm>> -> memref<10000x128xf32, #tpu.memory_space<hbm>>
      tpu.wait_indirect_dma semaphore(%arg13 : memref<!tpu.dma_semaphore, #tpu.memory_space<semaphore_mem>>) src(%dma_wait3A_106 : memref<10000x128xf32, #tpu.memory_space<hbm>>) dst(%arg9 : memref<112x128xf32, #tpu.memory_space<vmem>>)
      %dma_start3A_107 = arith.constant 0 : i32
      %dma_start3A_108 = arith.constant 0 : i32
      %dma_start3A_109 = tpu.memref_slice %arg8[%select_n3A_74, %dma_start3A_107, %dma_start3A_108] : memref<2x6x112xi32, #tpu.memory_space<vmem>> -> memref<1x1x112xi32, #tpu.memory_space<vmem>>
      %dma_start3A_110 = tpu.memref_squeeze %dma_start3A_109 : memref<1x1x112xi32, #tpu.memory_space<vmem>> -> memref<112xi32, #tpu.memory_space<vmem>>
      %dma_start3A_111 = arith.constant 0 : i32
      %dma_start3A_112 = arith.constant 0 : i32
      %dma_start3A_113 = tpu.memref_slice %arg12[%dma_start3A_111, %dma_start3A_112] : memref<10112x128xf32, #tpu.memory_space<vmem_shared>> -> memref<10112x128xf32, #tpu.memory_space<vmem_shared>>
      tpu.enqueue_indirect_dma source(%arg9 : memref<112x128xf32, #tpu.memory_space<vmem>>) target(%dma_start3A_113 : memref<10112x128xf32, #tpu.memory_space<vmem_shared>>) offsets(%dma_start3A_110 : memref<112xi32, #tpu.memory_space<vmem>>) semaphore(%arg16 : memref<!tpu.dma_semaphore, #tpu.memory_space<semaphore_mem>>) {add = true}
      %eq3A_114 = arith.constant 0 : i32
      %eq3A_115 = arith.cmpi eq, %scan3A_62, %eq3A_114 : i32
      %convert_element_type3A_116 = arith.extui %eq3A_115 : i1 to i32
      %cond3A_117 = arith.constant 0 : i32
      %cond3A_118 = arith.cmpi ne, %convert_element_type3A_116, %cond3A_117 : i32
      scf.if %cond3A_118 {
        %dma_start3A_268 = arith.constant 2 : i32
        %dma_start3A_269 = arith.constant 0 : i32
        %dma_start3A_270 = tpu.memref_slice %arg7[%select_n3A_74, %dma_start3A_268, %dma_start3A_269] : memref<2x6x112xi32, #tpu.memory_space<vmem>> -> memref<1x1x112xi32, #tpu.memory_space<vmem>>
        %dma_start3A_271 = tpu.memref_squeeze %dma_start3A_270 : memref<1x1x112xi32, #tpu.memory_space<vmem>> -> memref<112xi32, #tpu.memory_space<vmem>>
        %dma_start3A_272 = arith.constant 0 : i32
        %dma_start3A_273 = arith.constant 0 : i32
        %dma_start3A_274 = tpu.memref_slice %arg2[%dma_start3A_272, %dma_start3A_273] : memref<10000x128xf32, #tpu.memory_space<hbm>> -> memref<10000x128xf32, #tpu.memory_space<hbm>>
        tpu.enqueue_indirect_dma source(%dma_start3A_274 : memref<10000x128xf32, #tpu.memory_space<hbm>>) target(%arg11 : memref<112x128xf32, #tpu.memory_space<vmem>>) offsets(%dma_start3A_271 : memref<112xi32, #tpu.memory_space<vmem>>) semaphore(%arg15 : memref<!tpu.dma_semaphore, #tpu.memory_space<semaphore_mem>>)
      } else {
      }
      %gt3A = arith.constant 0 : i32
      %gt3A_119 = arith.cmpi sgt, %scan3A_62, %gt3A : i32
      %convert_element_type3A_120 = arith.extui %gt3A_119 : i1 to i32
      %cond3A_121 = arith.constant 0 : i32
      %cond3A_122 = arith.cmpi ne, %convert_element_type3A_120, %cond3A_121 : i32
      scf.if %cond3A_122 {
        %dma_wait3A_268 = arith.constant 0 : i32
        %dma_wait3A_269 = arith.constant 0 : i32
        %dma_wait3A_270 = arith.constant 0 : i32
        %dma_wait3A_271 = tpu.memref_slice %arg8[%dma_wait3A_268, %dma_wait3A_269, %dma_wait3A_270] : memref<2x6x112xi32, #tpu.memory_space<vmem>> -> memref<1x1x112xi32, #tpu.memory_space<vmem>>
        %dma_wait3A_272 = tpu.memref_squeeze %dma_wait3A_271 : memref<1x1x112xi32, #tpu.memory_space<vmem>> -> memref<112xi32, #tpu.memory_space<vmem>>
        %dma_wait3A_273 = arith.constant 0 : i32
        %dma_wait3A_274 = arith.constant 0 : i32
        %dma_wait3A_275 = tpu.memref_slice %arg12[%dma_wait3A_273, %dma_wait3A_274] : memref<10112x128xf32, #tpu.memory_space<vmem_shared>> -> memref<10112x128xf32, #tpu.memory_space<vmem_shared>>
        tpu.wait_indirect_dma semaphore(%arg18 : memref<!tpu.dma_semaphore, #tpu.memory_space<semaphore_mem>>) src(%arg11 : memref<112x128xf32, #tpu.memory_space<vmem>>) dst(%dma_wait3A_275 : memref<10112x128xf32, #tpu.memory_space<vmem_shared>>)
        %dma_start3A_276 = arith.constant 2 : i32
        %dma_start3A_277 = arith.constant 0 : i32
        %dma_start3A_278 = tpu.memref_slice %arg7[%select_n3A_74, %dma_start3A_276, %dma_start3A_277] : memref<2x6x112xi32, #tpu.memory_space<vmem>> -> memref<1x1x112xi32, #tpu.memory_space<vmem>>
        %dma_start3A_279 = tpu.memref_squeeze %dma_start3A_278 : memref<1x1x112xi32, #tpu.memory_space<vmem>> -> memref<112xi32, #tpu.memory_space<vmem>>
        %dma_start3A_280 = arith.constant 0 : i32
        %dma_start3A_281 = arith.constant 0 : i32
        %dma_start3A_282 = tpu.memref_slice %arg2[%dma_start3A_280, %dma_start3A_281] : memref<10000x128xf32, #tpu.memory_space<hbm>> -> memref<10000x128xf32, #tpu.memory_space<hbm>>
        tpu.enqueue_indirect_dma source(%dma_start3A_282 : memref<10000x128xf32, #tpu.memory_space<hbm>>) target(%arg11 : memref<112x128xf32, #tpu.memory_space<vmem>>) offsets(%dma_start3A_279 : memref<112xi32, #tpu.memory_space<vmem>>) semaphore(%arg15 : memref<!tpu.dma_semaphore, #tpu.memory_space<semaphore_mem>>)
      } else {
      }
      %dma_wait3A_123 = arith.constant 1 : i32
      %dma_wait3A_124 = arith.constant 0 : i32
      %dma_wait3A_125 = tpu.memref_slice %arg7[%select_n3A_74, %dma_wait3A_123, %dma_wait3A_124] : memref<2x6x112xi32, #tpu.memory_space<vmem>> -> memref<1x1x112xi32, #tpu.memory_space<vmem>>
      %dma_wait3A_126 = tpu.memref_squeeze %dma_wait3A_125 : memref<1x1x112xi32, #tpu.memory_space<vmem>> -> memref<112xi32, #tpu.memory_space<vmem>>
      %dma_wait3A_127 = arith.constant 0 : i32
      %dma_wait3A_128 = arith.constant 0 : i32
      %dma_wait3A_129 = tpu.memref_slice %arg2[%dma_wait3A_127, %dma_wait3A_128] : memref<10000x128xf32, #tpu.memory_space<hbm>> -> memref<10000x128xf32, #tpu.memory_space<hbm>>
      tpu.wait_indirect_dma semaphore(%arg14 : memref<!tpu.dma_semaphore, #tpu.memory_space<semaphore_mem>>) src(%dma_wait3A_129 : memref<10000x128xf32, #tpu.memory_space<hbm>>) dst(%arg10 : memref<112x128xf32, #tpu.memory_space<vmem>>)
      %dma_start3A_130 = arith.constant 1 : i32
      %dma_start3A_131 = arith.constant 0 : i32
      %dma_start3A_132 = tpu.memref_slice %arg8[%select_n3A_74, %dma_start3A_130, %dma_start3A_131] : memref<2x6x112xi32, #tpu.memory_space<vmem>> -> memref<1x1x112xi32, #tpu.memory_space<vmem>>
      %dma_start3A_133 = tpu.memref_squeeze %dma_start3A_132 : memref<1x1x112xi32, #tpu.memory_space<vmem>> -> memref<112xi32, #tpu.memory_space<vmem>>
      %dma_start3A_134 = arith.constant 0 : i32
      %dma_start3A_135 = arith.constant 0 : i32
      %dma_start3A_136 = tpu.memref_slice %arg12[%dma_start3A_134, %dma_start3A_135] : memref<10112x128xf32, #tpu.memory_space<vmem_shared>> -> memref<10112x128xf32, #tpu.memory_space<vmem_shared>>
      tpu.enqueue_indirect_dma source(%arg10 : memref<112x128xf32, #tpu.memory_space<vmem>>) target(%dma_start3A_136 : memref<10112x128xf32, #tpu.memory_space<vmem_shared>>) offsets(%dma_start3A_133 : memref<112xi32, #tpu.memory_space<vmem>>) semaphore(%arg17 : memref<!tpu.dma_semaphore, #tpu.memory_space<semaphore_mem>>) {add = true}
      %dma_wait3A_137 = arith.constant 0 : i32
      %dma_wait3A_138 = arith.constant 0 : i32
      %dma_wait3A_139 = arith.constant 0 : i32
      %dma_wait3A_140 = tpu.memref_slice %arg8[%dma_wait3A_137, %dma_wait3A_138, %dma_wait3A_139] : memref<2x6x112xi32, #tpu.memory_space<vmem>> -> memref<1x1x112xi32, #tpu.memory_space<vmem>>
      %dma_wait3A_141 = tpu.memref_squeeze %dma_wait3A_140 : memref<1x1x112xi32, #tpu.memory_space<vmem>> -> memref<112xi32, #tpu.memory_space<vmem>>
      %dma_wait3A_142 = arith.constant 0 : i32
      %dma_wait3A_143 = arith.constant 0 : i32
      %dma_wait3A_144 = tpu.memref_slice %arg12[%dma_wait3A_142, %dma_wait3A_143] : memref<10112x128xf32, #tpu.memory_space<vmem_shared>> -> memref<10112x128xf32, #tpu.memory_space<vmem_shared>>
      tpu.wait_indirect_dma semaphore(%arg16 : memref<!tpu.dma_semaphore, #tpu.memory_space<semaphore_mem>>) src(%arg9 : memref<112x128xf32, #tpu.memory_space<vmem>>) dst(%dma_wait3A_144 : memref<10112x128xf32, #tpu.memory_space<vmem_shared>>)
      %dma_start3A_145 = arith.constant 3 : i32
      %dma_start3A_146 = arith.constant 0 : i32
      %dma_start3A_147 = tpu.memref_slice %arg7[%select_n3A_74, %dma_start3A_145, %dma_start3A_146] : memref<2x6x112xi32, #tpu.memory_space<vmem>> -> memref<1x1x112xi32, #tpu.memory_space<vmem>>
      %dma_start3A_148 = tpu.memref_squeeze %dma_start3A_147 : memref<1x1x112xi32, #tpu.memory_space<vmem>> -> memref<112xi32, #tpu.memory_space<vmem>>
      %dma_start3A_149 = arith.constant 0 : i32
      %dma_start3A_150 = arith.constant 0 : i32
      %dma_start3A_151 = tpu.memref_slice %arg2[%dma_start3A_149, %dma_start3A_150] : memref<10000x128xf32, #tpu.memory_space<hbm>> -> memref<10000x128xf32, #tpu.memory_space<hbm>>
      tpu.enqueue_indirect_dma source(%dma_start3A_151 : memref<10000x128xf32, #tpu.memory_space<hbm>>) target(%arg9 : memref<112x128xf32, #tpu.memory_space<vmem>>) offsets(%dma_start3A_148 : memref<112xi32, #tpu.memory_space<vmem>>) semaphore(%arg13 : memref<!tpu.dma_semaphore, #tpu.memory_space<semaphore_mem>>)
      %dma_wait3A_152 = arith.constant 2 : i32
      %dma_wait3A_153 = arith.constant 0 : i32
      %dma_wait3A_154 = tpu.memref_slice %arg7[%select_n3A_74, %dma_wait3A_152, %dma_wait3A_153] : memref<2x6x112xi32, #tpu.memory_space<vmem>> -> memref<1x1x112xi32, #tpu.memory_space<vmem>>
      %dma_wait3A_155 = tpu.memref_squeeze %dma_wait3A_154 : memref<1x1x112xi32, #tpu.memory_space<vmem>> -> memref<112xi32, #tpu.memory_space<vmem>>
      %dma_wait3A_156 = arith.constant 0 : i32
      %dma_wait3A_157 = arith.constant 0 : i32
      %dma_wait3A_158 = tpu.memref_slice %arg2[%dma_wait3A_156, %dma_wait3A_157] : memref<10000x128xf32, #tpu.memory_space<hbm>> -> memref<10000x128xf32, #tpu.memory_space<hbm>>
      tpu.wait_indirect_dma semaphore(%arg15 : memref<!tpu.dma_semaphore, #tpu.memory_space<semaphore_mem>>) src(%dma_wait3A_158 : memref<10000x128xf32, #tpu.memory_space<hbm>>) dst(%arg11 : memref<112x128xf32, #tpu.memory_space<vmem>>)
      %dma_start3A_159 = arith.constant 2 : i32
      %dma_start3A_160 = arith.constant 0 : i32
      %dma_start3A_161 = tpu.memref_slice %arg8[%select_n3A_74, %dma_start3A_159, %dma_start3A_160] : memref<2x6x112xi32, #tpu.memory_space<vmem>> -> memref<1x1x112xi32, #tpu.memory_space<vmem>>
      %dma_start3A_162 = tpu.memref_squeeze %dma_start3A_161 : memref<1x1x112xi32, #tpu.memory_space<vmem>> -> memref<112xi32, #tpu.memory_space<vmem>>
      %dma_start3A_163 = arith.constant 0 : i32
      %dma_start3A_164 = arith.constant 0 : i32
      %dma_start3A_165 = tpu.memref_slice %arg12[%dma_start3A_163, %dma_start3A_164] : memref<10112x128xf32, #tpu.memory_space<vmem_shared>> -> memref<10112x128xf32, #tpu.memory_space<vmem_shared>>
      tpu.enqueue_indirect_dma source(%arg11 : memref<112x128xf32, #tpu.memory_space<vmem>>) target(%dma_start3A_165 : memref<10112x128xf32, #tpu.memory_space<vmem_shared>>) offsets(%dma_start3A_162 : memref<112xi32, #tpu.memory_space<vmem>>) semaphore(%arg18 : memref<!tpu.dma_semaphore, #tpu.memory_space<semaphore_mem>>) {add = true}
      %dma_wait3A_166 = arith.constant 0 : i32
      %dma_wait3A_167 = arith.constant 0 : i32
      %dma_wait3A_168 = arith.constant 0 : i32
      %dma_wait3A_169 = tpu.memref_slice %arg8[%dma_wait3A_166, %dma_wait3A_167, %dma_wait3A_168] : memref<2x6x112xi32, #tpu.memory_space<vmem>> -> memref<1x1x112xi32, #tpu.memory_space<vmem>>
      %dma_wait3A_170 = tpu.memref_squeeze %dma_wait3A_169 : memref<1x1x112xi32, #tpu.memory_space<vmem>> -> memref<112xi32, #tpu.memory_space<vmem>>
      %dma_wait3A_171 = arith.constant 0 : i32
      %dma_wait3A_172 = arith.constant 0 : i32
      %dma_wait3A_173 = tpu.memref_slice %arg12[%dma_wait3A_171, %dma_wait3A_172] : memref<10112x128xf32, #tpu.memory_space<vmem_shared>> -> memref<10112x128xf32, #tpu.memory_space<vmem_shared>>
      tpu.wait_indirect_dma semaphore(%arg17 : memref<!tpu.dma_semaphore, #tpu.memory_space<semaphore_mem>>) src(%arg10 : memref<112x128xf32, #tpu.memory_space<vmem>>) dst(%dma_wait3A_173 : memref<10112x128xf32, #tpu.memory_space<vmem_shared>>)
      %dma_start3A_174 = arith.constant 4 : i32
      %dma_start3A_175 = arith.constant 0 : i32
      %dma_start3A_176 = tpu.memref_slice %arg7[%select_n3A_74, %dma_start3A_174, %dma_start3A_175] : memref<2x6x112xi32, #tpu.memory_space<vmem>> -> memref<1x1x112xi32, #tpu.memory_space<vmem>>
      %dma_start3A_177 = tpu.memref_squeeze %dma_start3A_176 : memref<1x1x112xi32, #tpu.memory_space<vmem>> -> memref<112xi32, #tpu.memory_space<vmem>>
      %dma_start3A_178 = arith.constant 0 : i32
      %dma_start3A_179 = arith.constant 0 : i32
      %dma_start3A_180 = tpu.memref_slice %arg2[%dma_start3A_178, %dma_start3A_179] : memref<10000x128xf32, #tpu.memory_space<hbm>> -> memref<10000x128xf32, #tpu.memory_space<hbm>>
      tpu.enqueue_indirect_dma source(%dma_start3A_180 : memref<10000x128xf32, #tpu.memory_space<hbm>>) target(%arg10 : memref<112x128xf32, #tpu.memory_space<vmem>>) offsets(%dma_start3A_177 : memref<112xi32, #tpu.memory_space<vmem>>) semaphore(%arg14 : memref<!tpu.dma_semaphore, #tpu.memory_space<semaphore_mem>>)
      %dma_wait3A_181 = arith.constant 3 : i32
      %dma_wait3A_182 = arith.constant 0 : i32
      %dma_wait3A_183 = tpu.memref_slice %arg7[%select_n3A_74, %dma_wait3A_181, %dma_wait3A_182] : memref<2x6x112xi32, #tpu.memory_space<vmem>> -> memref<1x1x112xi32, #tpu.memory_space<vmem>>
      %dma_wait3A_184 = tpu.memref_squeeze %dma_wait3A_183 : memref<1x1x112xi32, #tpu.memory_space<vmem>> -> memref<112xi32, #tpu.memory_space<vmem>>
      %dma_wait3A_185 = arith.constant 0 : i32
      %dma_wait3A_186 = arith.constant 0 : i32
      %dma_wait3A_187 = tpu.memref_slice %arg2[%dma_wait3A_185, %dma_wait3A_186] : memref<10000x128xf32, #tpu.memory_space<hbm>> -> memref<10000x128xf32, #tpu.memory_space<hbm>>
      tpu.wait_indirect_dma semaphore(%arg13 : memref<!tpu.dma_semaphore, #tpu.memory_space<semaphore_mem>>) src(%dma_wait3A_187 : memref<10000x128xf32, #tpu.memory_space<hbm>>) dst(%arg9 : memref<112x128xf32, #tpu.memory_space<vmem>>)
      %dma_start3A_188 = arith.constant 3 : i32
      %dma_start3A_189 = arith.constant 0 : i32
      %dma_start3A_190 = tpu.memref_slice %arg8[%select_n3A_74, %dma_start3A_188, %dma_start3A_189] : memref<2x6x112xi32, #tpu.memory_space<vmem>> -> memref<1x1x112xi32, #tpu.memory_space<vmem>>
      %dma_start3A_191 = tpu.memref_squeeze %dma_start3A_190 : memref<1x1x112xi32, #tpu.memory_space<vmem>> -> memref<112xi32, #tpu.memory_space<vmem>>
      %dma_start3A_192 = arith.constant 0 : i32
      %dma_start3A_193 = arith.constant 0 : i32
      %dma_start3A_194 = tpu.memref_slice %arg12[%dma_start3A_192, %dma_start3A_193] : memref<10112x128xf32, #tpu.memory_space<vmem_shared>> -> memref<10112x128xf32, #tpu.memory_space<vmem_shared>>
      tpu.enqueue_indirect_dma source(%arg9 : memref<112x128xf32, #tpu.memory_space<vmem>>) target(%dma_start3A_194 : memref<10112x128xf32, #tpu.memory_space<vmem_shared>>) offsets(%dma_start3A_191 : memref<112xi32, #tpu.memory_space<vmem>>) semaphore(%arg16 : memref<!tpu.dma_semaphore, #tpu.memory_space<semaphore_mem>>) {add = true}
      %dma_wait3A_195 = arith.constant 0 : i32
      %dma_wait3A_196 = arith.constant 0 : i32
      %dma_wait3A_197 = arith.constant 0 : i32
      %dma_wait3A_198 = tpu.memref_slice %arg8[%dma_wait3A_195, %dma_wait3A_196, %dma_wait3A_197] : memref<2x6x112xi32, #tpu.memory_space<vmem>> -> memref<1x1x112xi32, #tpu.memory_space<vmem>>
      %dma_wait3A_199 = tpu.memref_squeeze %dma_wait3A_198 : memref<1x1x112xi32, #tpu.memory_space<vmem>> -> memref<112xi32, #tpu.memory_space<vmem>>
      %dma_wait3A_200 = arith.constant 0 : i32
      %dma_wait3A_201 = arith.constant 0 : i32
      %dma_wait3A_202 = tpu.memref_slice %arg12[%dma_wait3A_200, %dma_wait3A_201] : memref<10112x128xf32, #tpu.memory_space<vmem_shared>> -> memref<10112x128xf32, #tpu.memory_space<vmem_shared>>
      tpu.wait_indirect_dma semaphore(%arg18 : memref<!tpu.dma_semaphore, #tpu.memory_space<semaphore_mem>>) src(%arg11 : memref<112x128xf32, #tpu.memory_space<vmem>>) dst(%dma_wait3A_202 : memref<10112x128xf32, #tpu.memory_space<vmem_shared>>)
      %dma_start3A_203 = arith.constant 5 : i32
      %dma_start3A_204 = arith.constant 0 : i32
      %dma_start3A_205 = tpu.memref_slice %arg7[%select_n3A_74, %dma_start3A_203, %dma_start3A_204] : memref<2x6x112xi32, #tpu.memory_space<vmem>> -> memref<1x1x112xi32, #tpu.memory_space<vmem>>
      %dma_start3A_206 = tpu.memref_squeeze %dma_start3A_205 : memref<1x1x112xi32, #tpu.memory_space<vmem>> -> memref<112xi32, #tpu.memory_space<vmem>>
      %dma_start3A_207 = arith.constant 0 : i32
      %dma_start3A_208 = arith.constant 0 : i32
      %dma_start3A_209 = tpu.memref_slice %arg2[%dma_start3A_207, %dma_start3A_208] : memref<10000x128xf32, #tpu.memory_space<hbm>> -> memref<10000x128xf32, #tpu.memory_space<hbm>>
      tpu.enqueue_indirect_dma source(%dma_start3A_209 : memref<10000x128xf32, #tpu.memory_space<hbm>>) target(%arg11 : memref<112x128xf32, #tpu.memory_space<vmem>>) offsets(%dma_start3A_206 : memref<112xi32, #tpu.memory_space<vmem>>) semaphore(%arg15 : memref<!tpu.dma_semaphore, #tpu.memory_space<semaphore_mem>>)
      %dma_wait3A_210 = arith.constant 4 : i32
      %dma_wait3A_211 = arith.constant 0 : i32
      %dma_wait3A_212 = tpu.memref_slice %arg7[%select_n3A_74, %dma_wait3A_210, %dma_wait3A_211] : memref<2x6x112xi32, #tpu.memory_space<vmem>> -> memref<1x1x112xi32, #tpu.memory_space<vmem>>
      %dma_wait3A_213 = tpu.memref_squeeze %dma_wait3A_212 : memref<1x1x112xi32, #tpu.memory_space<vmem>> -> memref<112xi32, #tpu.memory_space<vmem>>
      %dma_wait3A_214 = arith.constant 0 : i32
      %dma_wait3A_215 = arith.constant 0 : i32
      %dma_wait3A_216 = tpu.memref_slice %arg2[%dma_wait3A_214, %dma_wait3A_215] : memref<10000x128xf32, #tpu.memory_space<hbm>> -> memref<10000x128xf32, #tpu.memory_space<hbm>>
      tpu.wait_indirect_dma semaphore(%arg14 : memref<!tpu.dma_semaphore, #tpu.memory_space<semaphore_mem>>) src(%dma_wait3A_216 : memref<10000x128xf32, #tpu.memory_space<hbm>>) dst(%arg10 : memref<112x128xf32, #tpu.memory_space<vmem>>)
      %dma_start3A_217 = arith.constant 4 : i32
      %dma_start3A_218 = arith.constant 0 : i32
      %dma_start3A_219 = tpu.memref_slice %arg8[%select_n3A_74, %dma_start3A_217, %dma_start3A_218] : memref<2x6x112xi32, #tpu.memory_space<vmem>> -> memref<1x1x112xi32, #tpu.memory_space<vmem>>
      %dma_start3A_220 = tpu.memref_squeeze %dma_start3A_219 : memref<1x1x112xi32, #tpu.memory_space<vmem>> -> memref<112xi32, #tpu.memory_space<vmem>>
      %dma_start3A_221 = arith.constant 0 : i32
      %dma_start3A_222 = arith.constant 0 : i32
      %dma_start3A_223 = tpu.memref_slice %arg12[%dma_start3A_221, %dma_start3A_222] : memref<10112x128xf32, #tpu.memory_space<vmem_shared>> -> memref<10112x128xf32, #tpu.memory_space<vmem_shared>>
      tpu.enqueue_indirect_dma source(%arg10 : memref<112x128xf32, #tpu.memory_space<vmem>>) target(%dma_start3A_223 : memref<10112x128xf32, #tpu.memory_space<vmem_shared>>) offsets(%dma_start3A_220 : memref<112xi32, #tpu.memory_space<vmem>>) semaphore(%arg17 : memref<!tpu.dma_semaphore, #tpu.memory_space<semaphore_mem>>) {add = true}
      %dma_wait3A_224 = arith.constant 0 : i32
      %dma_wait3A_225 = arith.constant 0 : i32
      %dma_wait3A_226 = arith.constant 0 : i32
      %dma_wait3A_227 = tpu.memref_slice %arg8[%dma_wait3A_224, %dma_wait3A_225, %dma_wait3A_226] : memref<2x6x112xi32, #tpu.memory_space<vmem>> -> memref<1x1x112xi32, #tpu.memory_space<vmem>>
      %dma_wait3A_228 = tpu.memref_squeeze %dma_wait3A_227 : memref<1x1x112xi32, #tpu.memory_space<vmem>> -> memref<112xi32, #tpu.memory_space<vmem>>
      %dma_wait3A_229 = arith.constant 0 : i32
      %dma_wait3A_230 = arith.constant 0 : i32
      %dma_wait3A_231 = tpu.memref_slice %arg12[%dma_wait3A_229, %dma_wait3A_230] : memref<10112x128xf32, #tpu.memory_space<vmem_shared>> -> memref<10112x128xf32, #tpu.memory_space<vmem_shared>>
      tpu.wait_indirect_dma semaphore(%arg16 : memref<!tpu.dma_semaphore, #tpu.memory_space<semaphore_mem>>) src(%arg9 : memref<112x128xf32, #tpu.memory_space<vmem>>) dst(%dma_wait3A_231 : memref<10112x128xf32, #tpu.memory_space<vmem_shared>>)
      %add3A_232 = arith.constant 1 : i32
      %add3A_233 = arith.addi %scan3A_62, %add3A_232 : i32
      %lt3A_234 = arith.constant 15 : i32
      %lt3A_235 = arith.cmpi slt, %add3A_233, %lt3A_234 : i32
      %convert_element_type3A_236 = arith.extui %lt3A_235 : i1 to i32
      %cond3A_237 = arith.constant 0 : i32
      %cond3A_238 = arith.cmpi ne, %convert_element_type3A_236, %cond3A_237 : i32
      scf.if %cond3A_238 {
        %add3A_268 = arith.constant 1 : i32
        %add3A_269 = arith.addi %scan3A_62, %add3A_268 : i32
        %dma_wait3A_270 = arith.constant 0 : i32
        %dma_wait3A_271 = arith.constant 0 : i32
        %dma_wait3A_272 = arith.constant 0 : i32
        %dma_wait3A_273 = tpu.memref_slice %arg7[%select_n3A_92, %dma_wait3A_271, %dma_wait3A_272] : memref<2x6x112xi32, #tpu.memory_space<vmem>> -> memref<1x6x112xi32, #tpu.memory_space<vmem>>
        %dma_wait3A_274 = tpu.memref_squeeze %dma_wait3A_273 : memref<1x6x112xi32, #tpu.memory_space<vmem>> -> memref<6x112xi32, #tpu.memory_space<vmem>>
        %dma_wait3A_275 = arith.constant 0 : i32
        %dma_wait3A_276 = arith.constant 0 : i32
        %dma_wait3A_277 = tpu.memref_slice %arg3[%dma_wait3A_270, %add3A, %add3A_269, %dma_wait3A_275, %dma_wait3A_276] : memref<2x32x15x6x112xi32, #tpu.memory_space<hbm>> -> memref<1x1x1x6x112xi32, #tpu.memory_space<hbm>>
        %dma_wait3A_278 = tpu.memref_squeeze %dma_wait3A_277 : memref<1x1x1x6x112xi32, #tpu.memory_space<hbm>> -> memref<6x112xi32, #tpu.memory_space<hbm>>
        %dma_wait3A_279 = arith.constant 0 : i32
        %dma_wait3A_280 = arith.constant 0 : i32
        %dma_wait3A_281 = tpu.memref_slice %arg7[%select_n3A_92, %dma_wait3A_279, %dma_wait3A_280] : memref<2x6x112xi32, #tpu.memory_space<vmem>> -> memref<1x6x112xi32, #tpu.memory_space<vmem>>
        %dma_wait3A_282 = tpu.memref_squeeze %dma_wait3A_281 : memref<1x6x112xi32, #tpu.memory_space<vmem>> -> memref<6x112xi32, #tpu.memory_space<vmem>>
        %dma_wait3A_283 = arith.constant 0 : i32
        %dma_wait3A_284 = arith.constant 0 : i32
        %dma_wait3A_285 = tpu.memref_slice %arg3[%dma_wait3A_270, %add3A, %add3A_269, %dma_wait3A_283, %dma_wait3A_284] : memref<2x32x15x6x112xi32, #tpu.memory_space<hbm>> -> memref<1x1x1x6x112xi32, #tpu.memory_space<hbm>>
        %dma_wait3A_286 = tpu.memref_squeeze %dma_wait3A_285 : memref<1x1x1x6x112xi32, #tpu.memory_space<hbm>> -> memref<6x112xi32, #tpu.memory_space<hbm>>
        tpu.wait_dma2 semaphore(%arg19 : memref<!tpu.dma_semaphore, #tpu.memory_space<semaphore_mem>>) src(%dma_wait3A_286 : memref<6x112xi32, #tpu.memory_space<hbm>>) dst(%dma_wait3A_282 : memref<6x112xi32, #tpu.memory_space<vmem>>)
        %add3A_287 = arith.constant 1 : i32
        %add3A_288 = arith.addi %scan3A_62, %add3A_287 : i32
        %dma_wait3A_289 = arith.constant 1 : i32
        %dma_wait3A_290 = arith.constant 0 : i32
        %dma_wait3A_291 = arith.constant 0 : i32
        %dma_wait3A_292 = tpu.memref_slice %arg8[%select_n3A_92, %dma_wait3A_290, %dma_wait3A_291] : memref<2x6x112xi32, #tpu.memory_space<vmem>> -> memref<1x6x112xi32, #tpu.memory_space<vmem>>
        %dma_wait3A_293 = tpu.memref_squeeze %dma_wait3A_292 : memref<1x6x112xi32, #tpu.memory_space<vmem>> -> memref<6x112xi32, #tpu.memory_space<vmem>>
        %dma_wait3A_294 = arith.constant 0 : i32
        %dma_wait3A_295 = arith.constant 0 : i32
        %dma_wait3A_296 = tpu.memref_slice %arg3[%dma_wait3A_289, %add3A, %add3A_288, %dma_wait3A_294, %dma_wait3A_295] : memref<2x32x15x6x112xi32, #tpu.memory_space<hbm>> -> memref<1x1x1x6x112xi32, #tpu.memory_space<hbm>>
        %dma_wait3A_297 = tpu.memref_squeeze %dma_wait3A_296 : memref<1x1x1x6x112xi32, #tpu.memory_space<hbm>> -> memref<6x112xi32, #tpu.memory_space<hbm>>
        %dma_wait3A_298 = arith.constant 0 : i32
        %dma_wait3A_299 = arith.constant 0 : i32
        %dma_wait3A_300 = tpu.memref_slice %arg8[%select_n3A_92, %dma_wait3A_298, %dma_wait3A_299] : memref<2x6x112xi32, #tpu.memory_space<vmem>> -> memref<1x6x112xi32, #tpu.memory_space<vmem>>
        %dma_wait3A_301 = tpu.memref_squeeze %dma_wait3A_300 : memref<1x6x112xi32, #tpu.memory_space<vmem>> -> memref<6x112xi32, #tpu.memory_space<vmem>>
        %dma_wait3A_302 = arith.constant 0 : i32
        %dma_wait3A_303 = arith.constant 0 : i32
        %dma_wait3A_304 = tpu.memref_slice %arg3[%dma_wait3A_289, %add3A, %add3A_288, %dma_wait3A_302, %dma_wait3A_303] : memref<2x32x15x6x112xi32, #tpu.memory_space<hbm>> -> memref<1x1x1x6x112xi32, #tpu.memory_space<hbm>>
        %dma_wait3A_305 = tpu.memref_squeeze %dma_wait3A_304 : memref<1x1x1x6x112xi32, #tpu.memory_space<hbm>> -> memref<6x112xi32, #tpu.memory_space<hbm>>
        tpu.wait_dma2 semaphore(%arg20 : memref<!tpu.dma_semaphore, #tpu.memory_space<semaphore_mem>>) src(%dma_wait3A_305 : memref<6x112xi32, #tpu.memory_space<hbm>>) dst(%dma_wait3A_301 : memref<6x112xi32, #tpu.memory_space<vmem>>)
        %dma_start3A_306 = arith.constant 0 : i32
        %dma_start3A_307 = arith.constant 0 : i32
        %dma_start3A_308 = tpu.memref_slice %arg7[%select_n3A_92, %dma_start3A_306, %dma_start3A_307] : memref<2x6x112xi32, #tpu.memory_space<vmem>> -> memref<1x1x112xi32, #tpu.memory_space<vmem>>
        %dma_start3A_309 = tpu.memref_squeeze %dma_start3A_308 : memref<1x1x112xi32, #tpu.memory_space<vmem>> -> memref<112xi32, #tpu.memory_space<vmem>>
        %dma_start3A_310 = arith.constant 0 : i32
        %dma_start3A_311 = arith.constant 0 : i32
        %dma_start3A_312 = tpu.memref_slice %arg2[%dma_start3A_310, %dma_start3A_311] : memref<10000x128xf32, #tpu.memory_space<hbm>> -> memref<10000x128xf32, #tpu.memory_space<hbm>>
        tpu.enqueue_indirect_dma source(%dma_start3A_312 : memref<10000x128xf32, #tpu.memory_space<hbm>>) target(%arg9 : memref<112x128xf32, #tpu.memory_space<vmem>>) offsets(%dma_start3A_309 : memref<112xi32, #tpu.memory_space<vmem>>) semaphore(%arg13 : memref<!tpu.dma_semaphore, #tpu.memory_space<semaphore_mem>>)
      } else {
      }
      %dma_wait3A_239 = arith.constant 5 : i32
      %dma_wait3A_240 = arith.constant 0 : i32
      %dma_wait3A_241 = tpu.memref_slice %arg7[%select_n3A_74, %dma_wait3A_239, %dma_wait3A_240] : memref<2x6x112xi32, #tpu.memory_space<vmem>> -> memref<1x1x112xi32, #tpu.memory_space<vmem>>
      %dma_wait3A_242 = tpu.memref_squeeze %dma_wait3A_241 : memref<1x1x112xi32, #tpu.memory_space<vmem>> -> memref<112xi32, #tpu.memory_space<vmem>>
      %dma_wait3A_243 = arith.constant 0 : i32
      %dma_wait3A_244 = arith.constant 0 : i32
      %dma_wait3A_245 = tpu.memref_slice %arg2[%dma_wait3A_243, %dma_wait3A_244] : memref<10000x128xf32, #tpu.memory_space<hbm>> -> memref<10000x128xf32, #tpu.memory_space<hbm>>
      tpu.wait_indirect_dma semaphore(%arg15 : memref<!tpu.dma_semaphore, #tpu.memory_space<semaphore_mem>>) src(%dma_wait3A_245 : memref<10000x128xf32, #tpu.memory_space<hbm>>) dst(%arg11 : memref<112x128xf32, #tpu.memory_space<vmem>>)
      %dma_start3A_246 = arith.constant 5 : i32
      %dma_start3A_247 = arith.constant 0 : i32
      %dma_start3A_248 = tpu.memref_slice %arg8[%select_n3A_74, %dma_start3A_246, %dma_start3A_247] : memref<2x6x112xi32, #tpu.memory_space<vmem>> -> memref<1x1x112xi32, #tpu.memory_space<vmem>>
      %dma_start3A_249 = tpu.memref_squeeze %dma_start3A_248 : memref<1x1x112xi32, #tpu.memory_space<vmem>> -> memref<112xi32, #tpu.memory_space<vmem>>
      %dma_start3A_250 = arith.constant 0 : i32
      %dma_start3A_251 = arith.constant 0 : i32
      %dma_start3A_252 = tpu.memref_slice %arg12[%dma_start3A_250, %dma_start3A_251] : memref<10112x128xf32, #tpu.memory_space<vmem_shared>> -> memref<10112x128xf32, #tpu.memory_space<vmem_shared>>
      tpu.enqueue_indirect_dma source(%arg11 : memref<112x128xf32, #tpu.memory_space<vmem>>) target(%dma_start3A_252 : memref<10112x128xf32, #tpu.memory_space<vmem_shared>>) offsets(%dma_start3A_249 : memref<112xi32, #tpu.memory_space<vmem>>) semaphore(%arg18 : memref<!tpu.dma_semaphore, #tpu.memory_space<semaphore_mem>>) {add = true}
      %dma_wait3A_253 = arith.constant 0 : i32
      %dma_wait3A_254 = arith.constant 0 : i32
      %dma_wait3A_255 = arith.constant 0 : i32
      %dma_wait3A_256 = tpu.memref_slice %arg8[%dma_wait3A_253, %dma_wait3A_254, %dma_wait3A_255] : memref<2x6x112xi32, #tpu.memory_space<vmem>> -> memref<1x1x112xi32, #tpu.memory_space<vmem>>
      %dma_wait3A_257 = tpu.memref_squeeze %dma_wait3A_256 : memref<1x1x112xi32, #tpu.memory_space<vmem>> -> memref<112xi32, #tpu.memory_space<vmem>>
      %dma_wait3A_258 = arith.constant 0 : i32
      %dma_wait3A_259 = arith.constant 0 : i32
      %dma_wait3A_260 = tpu.memref_slice %arg12[%dma_wait3A_258, %dma_wait3A_259] : memref<10112x128xf32, #tpu.memory_space<vmem_shared>> -> memref<10112x128xf32, #tpu.memory_space<vmem_shared>>
      tpu.wait_indirect_dma semaphore(%arg17 : memref<!tpu.dma_semaphore, #tpu.memory_space<semaphore_mem>>) src(%arg10 : memref<112x128xf32, #tpu.memory_space<vmem>>) dst(%dma_wait3A_260 : memref<10112x128xf32, #tpu.memory_space<vmem_shared>>)
      %add3A_261 = arith.constant 1 : i32
      %add3A_262 = arith.addi %scan3A_62, %add3A_261 : i32
      %lt3A_263 = arith.constant 15 : i32
      %lt3A_264 = arith.cmpi slt, %add3A_262, %lt3A_263 : i32
      %convert_element_type3A_265 = arith.extui %lt3A_264 : i1 to i32
      %cond3A_266 = arith.constant 0 : i32
      %cond3A_267 = arith.cmpi ne, %convert_element_type3A_265, %cond3A_266 : i32
      scf.if %cond3A_267 {
        %dma_start3A_268 = arith.constant 1 : i32
        %dma_start3A_269 = arith.constant 0 : i32
        %dma_start3A_270 = tpu.memref_slice %arg7[%select_n3A_92, %dma_start3A_268, %dma_start3A_269] : memref<2x6x112xi32, #tpu.memory_space<vmem>> -> memref<1x1x112xi32, #tpu.memory_space<vmem>>
        %dma_start3A_271 = tpu.memref_squeeze %dma_start3A_270 : memref<1x1x112xi32, #tpu.memory_space<vmem>> -> memref<112xi32, #tpu.memory_space<vmem>>
        %dma_start3A_272 = arith.constant 0 : i32
        %dma_start3A_273 = arith.constant 0 : i32
        %dma_start3A_274 = tpu.memref_slice %arg2[%dma_start3A_272, %dma_start3A_273] : memref<10000x128xf32, #tpu.memory_space<hbm>> -> memref<10000x128xf32, #tpu.memory_space<hbm>>
        tpu.enqueue_indirect_dma source(%dma_start3A_274 : memref<10000x128xf32, #tpu.memory_space<hbm>>) target(%arg10 : memref<112x128xf32, #tpu.memory_space<vmem>>) offsets(%dma_start3A_271 : memref<112xi32, #tpu.memory_space<vmem>>) semaphore(%arg14 : memref<!tpu.dma_semaphore, #tpu.memory_space<semaphore_mem>>)
      } else {
      }
    }
    %scan3A_43 = arith.constant 15 : i32
    %dma_wait3A = arith.constant 0 : i32
    %dma_wait3A_44 = arith.constant 0 : i32
    %dma_wait3A_45 = arith.constant 0 : i32
    %dma_wait3A_46 = tpu.memref_slice %arg8[%dma_wait3A, %dma_wait3A_44, %dma_wait3A_45] : memref<2x6x112xi32, #tpu.memory_space<vmem>> -> memref<1x1x112xi32, #tpu.memory_space<vmem>>
    %dma_wait3A_47 = tpu.memref_squeeze %dma_wait3A_46 : memref<1x1x112xi32, #tpu.memory_space<vmem>> -> memref<112xi32, #tpu.memory_space<vmem>>
    %dma_wait3A_48 = arith.constant 0 : i32
    %dma_wait3A_49 = arith.constant 0 : i32
    %dma_wait3A_50 = tpu.memref_slice %arg12[%dma_wait3A_48, %dma_wait3A_49] : memref<10112x128xf32, #tpu.memory_space<vmem_shared>> -> memref<10112x128xf32, #tpu.memory_space<vmem_shared>>
    tpu.wait_indirect_dma semaphore(%arg18 : memref<!tpu.dma_semaphore, #tpu.memory_space<semaphore_mem>>) src(%arg11 : memref<112x128xf32, #tpu.memory_space<vmem>>) dst(%dma_wait3A_50 : memref<10112x128xf32, #tpu.memory_space<vmem_shared>>)
    %barrier3A_51 = arith.constant 0 : index
    tpu.barrier barrier_id(%barrier3A_51)
    %eq3A_52 = arith.constant 0 : i32
    %eq3A_53 = arith.cmpi eq, %arg0, %eq3A_52 : i32
    %convert_element_type3A_54 = arith.extui %eq3A_53 : i1 to i32
    %cond3A_55 = arith.constant 0 : i32
    %cond3A_56 = arith.cmpi ne, %convert_element_type3A_54, %cond3A_55 : i32
    scf.if %cond3A_56 {
      "tpu.region"() ({
        %run_scoped3A_62 = tpu.sem_alloc : memref<!tpu.dma_semaphore, #tpu.memory_space<semaphore_mem>>
        %dma_start3A_63 = arith.constant 0 : i32
        %dma_start3A_64 = tpu.memref_slice %arg5[%mul3A_2, %dma_start3A_63] : memref<10112x128xf32, #tpu.memory_space<hbm>> -> memref<632x128xf32, #tpu.memory_space<hbm>>
        %dma_start3A_65 = arith.constant 0 : i32
        %dma_start3A_66 = tpu.memref_slice %arg12[%mul3A_2, %dma_start3A_65] : memref<10112x128xf32, #tpu.memory_space<vmem_shared>> -> memref<632x128xf32, #tpu.memory_space<vmem_shared>>
        tpu.enqueue_dma source(%dma_start3A_66 : memref<632x128xf32, #tpu.memory_space<vmem_shared>>) target(%dma_start3A_64 : memref<632x128xf32, #tpu.memory_space<hbm>>) target_semaphore(%run_scoped3A_62 : memref<!tpu.dma_semaphore, #tpu.memory_space<semaphore_mem>>)
        %dma_wait3A_67 = arith.constant 0 : i32
        %dma_wait3A_68 = tpu.memref_slice %arg5[%mul3A_2, %dma_wait3A_67] : memref<10112x128xf32, #tpu.memory_space<hbm>> -> memref<632x128xf32, #tpu.memory_space<hbm>>
        %dma_wait3A_69 = arith.constant 0 : i32
        %dma_wait3A_70 = tpu.memref_slice %arg12[%mul3A_2, %dma_wait3A_69] : memref<10112x128xf32, #tpu.memory_space<vmem_shared>> -> memref<632x128xf32, #tpu.memory_space<vmem_shared>>
        tpu.wait_dma2 semaphore(%run_scoped3A_62 : memref<!tpu.dma_semaphore, #tpu.memory_space<semaphore_mem>>) src(%dma_wait3A_70 : memref<632x128xf32, #tpu.memory_space<vmem_shared>>) dst(%dma_wait3A_68 : memref<632x128xf32, #tpu.memory_space<hbm>>)
        tpu.yield
      }) : () -> ()
    } else {
    }
    %eq3A_57 = arith.constant 1 : i32
    %eq3A_58 = arith.cmpi eq, %arg0, %eq3A_57 : i32
    %convert_element_type3A_59 = arith.extui %eq3A_58 : i1 to i32
    %cond3A_60 = arith.constant 0 : i32
    %cond3A_61 = arith.cmpi ne, %convert_element_type3A_59, %cond3A_60 : i32
    scf.if %cond3A_61 {
      "tpu.region"() ({
        %run_scoped3A_62 = tpu.sem_alloc : memref<!tpu.dma_semaphore, #tpu.memory_space<semaphore_mem>>
        %dma_start3A_63 = arith.constant 0 : i32
        %dma_start3A_64 = tpu.memref_slice %arg6[%mul3A_2, %dma_start3A_63] : memref<10112x128xf32, #tpu.memory_space<hbm>> -> memref<632x128xf32, #tpu.memory_space<hbm>>
        %dma_start3A_65 = arith.constant 0 : i32
        %dma_start3A_66 = tpu.memref_slice %arg12[%mul3A_2, %dma_start3A_65] : memref<10112x128xf32, #tpu.memory_space<vmem_shared>> -> memref<632x128xf32, #tpu.memory_space<vmem_shared>>
        tpu.enqueue_dma source(%dma_start3A_66 : memref<632x128xf32, #tpu.memory_space<vmem_shared>>) target(%dma_start3A_64 : memref<632x128xf32, #tpu.memory_space<hbm>>) target_semaphore(%run_scoped3A_62 : memref<!tpu.dma_semaphore, #tpu.memory_space<semaphore_mem>>)
        %dma_wait3A_67 = arith.constant 0 : i32
        %dma_wait3A_68 = tpu.memref_slice %arg6[%mul3A_2, %dma_wait3A_67] : memref<10112x128xf32, #tpu.memory_space<hbm>> -> memref<632x128xf32, #tpu.memory_space<hbm>>
        %dma_wait3A_69 = arith.constant 0 : i32
        %dma_wait3A_70 = tpu.memref_slice %arg12[%mul3A_2, %dma_wait3A_69] : memref<10112x128xf32, #tpu.memory_space<vmem_shared>> -> memref<632x128xf32, #tpu.memory_space<vmem_shared>>
        tpu.wait_dma2 semaphore(%run_scoped3A_62 : memref<!tpu.dma_semaphore, #tpu.memory_space<semaphore_mem>>) src(%dma_wait3A_70 : memref<632x128xf32, #tpu.memory_space<vmem_shared>>) dst(%dma_wait3A_68 : memref<632x128xf32, #tpu.memory_space<hbm>>)
        tpu.yield
      }) : () -> ()
    } else {
    }
    return
  }
}

module attributes {stable_mosaic.version = 14 : i64} {
  func.func @_tc_mlp_bn(%arg0: memref<10112x128xf32, #tpu.memory_space<vmem>>, %arg1: memref<10112x128xf32, #tpu.memory_space<vmem>>, %arg2: memref<128x128xf32, #tpu.memory_space<vmem>>, %arg3: memref<1x128xf32, #tpu.memory_space<vmem>>, %arg4: memref<128x128xf32, #tpu.memory_space<vmem>>, %arg5: memref<1x128xf32, #tpu.memory_space<vmem>>, %arg6: memref<1x128xf32, #tpu.memory_space<vmem>>, %arg7: memref<1x128xf32, #tpu.memory_space<vmem>>, %arg8: memref<10000x128xf32, #tpu.memory_space<vmem>>) attributes {dimension_semantics = [], scalar_prefetch = 0 : i64, scratch_operands = 0 : i64, tpu.core_type = #tpu.core_type<tc>} {
    %get3A = arith.constant 0 : index
    %get3A_0 = arith.constant 0 : index
    %get3A_1 = vector.load %arg0[%get3A, %get3A_0] : memref<10112x128xf32, #tpu.memory_space<vmem>>, vector<10112x128xf32>
    %slice3A = vector.extract_strided_slice %get3A_1 {offsets = [0, 0], sizes = [10000, 128], strides = [1, 1]} : vector<10112x128xf32> to vector<10000x128xf32>
    %get3A_2 = arith.constant 0 : index
    %get3A_3 = arith.constant 0 : index
    %get3A_4 = vector.load %arg1[%get3A_2, %get3A_3] : memref<10112x128xf32, #tpu.memory_space<vmem>>, vector<10112x128xf32>
    %slice3A_5 = vector.extract_strided_slice %get3A_4 {offsets = [0, 0], sizes = [10000, 128], strides = [1, 1]} : vector<10112x128xf32> to vector<10000x128xf32>
    %add3A = arith.addf %slice3A, %slice3A_5 : vector<10000x128xf32>
    %get3A_6 = arith.constant 0 : index
    %get3A_7 = arith.constant 0 : index
    %get3A_8 = vector.load %arg2[%get3A_6, %get3A_7] : memref<128x128xf32, #tpu.memory_space<vmem>>, vector<128x128xf32>
    %dot_general3A = arith.constant dense<0.000000e+00> : vector<10000x128xf32>
    %dot_general3A_9 = tpu.matmul %add3A, %get3A_8, %dot_general3A {dimension_numbers = #tpu.dot_dimension_numbers<[1], [0], [0], [1], [0, 0, 1, 1], [], []>, transpose_lhs_hint = false} : vector<10000x128xf32>, vector<128x128xf32>, vector<10000x128xf32> -> vector<10000x128xf32>
    %get3A_10 = arith.constant 0 : index
    %get3A_11 = arith.constant 0 : index
    %get3A_12 = vector.load %arg3[%get3A_10, %get3A_11] : memref<1x128xf32, #tpu.memory_space<vmem>>, vector<1x128xf32>
    %add3A_13 = vector.broadcast %get3A_12 : vector<1x128xf32> to vector<10000x128xf32>
    %add3A_14 = arith.addf %dot_general3A_9, %add3A_13 : vector<10000x128xf32>
    %max3A = arith.constant 0.000000e+00 : f32
    %max3A_15 = vector.broadcast %max3A : f32 to vector<10000x128xf32>
    %max3A_16 = arith.maximumf %add3A_14, %max3A_15 : vector<10000x128xf32>
    %get3A_17 = arith.constant 0 : index
    %get3A_18 = arith.constant 0 : index
    %get3A_19 = vector.load %arg4[%get3A_17, %get3A_18] : memref<128x128xf32, #tpu.memory_space<vmem>>, vector<128x128xf32>
    %dot_general3A_20 = arith.constant dense<0.000000e+00> : vector<10000x128xf32>
    %dot_general3A_21 = tpu.matmul %max3A_16, %get3A_19, %dot_general3A_20 {dimension_numbers = #tpu.dot_dimension_numbers<[1], [0], [0], [1], [0, 0, 1, 1], [], []>, transpose_lhs_hint = false} : vector<10000x128xf32>, vector<128x128xf32>, vector<10000x128xf32> -> vector<10000x128xf32>
    %get3A_22 = arith.constant 0 : index
    %get3A_23 = arith.constant 0 : index
    %get3A_24 = vector.load %arg5[%get3A_22, %get3A_23] : memref<1x128xf32, #tpu.memory_space<vmem>>, vector<1x128xf32>
    %add3A_25 = vector.broadcast %get3A_24 : vector<1x128xf32> to vector<10000x128xf32>
    %add3A_26 = arith.addf %dot_general3A_21, %add3A_25 : vector<10000x128xf32>
    %max3A_27 = arith.constant 0.000000e+00 : f32
    %max3A_28 = vector.broadcast %max3A_27 : f32 to vector<10000x128xf32>
    %max3A_29 = arith.maximumf %add3A_26, %max3A_28 : vector<10000x128xf32>
    %reduce_sum3A = arith.constant dense<0.000000e+00> : vector<128xf32>
    %reduce_sum3A_30 = vector.multi_reduction <add>, %max3A_29, %reduce_sum3A [0] : vector<10000x128xf32> to vector<128xf32>
    %broadcast_in_dim3A = vector.shape_cast %reduce_sum3A_30 : vector<128xf32> to vector<1x128xf32>
    %div3A = arith.constant 1.000000e+04 : f32
    %div3A_31 = vector.broadcast %div3A : f32 to vector<1x128xf32>
    %div3A_32 = arith.divf %broadcast_in_dim3A, %div3A_31 : vector<1x128xf32>
    %sub3A = vector.broadcast %div3A_32 : vector<1x128xf32> to vector<10000x128xf32>
    %sub3A_33 = arith.subf %max3A_29, %sub3A : vector<10000x128xf32>
    %mul3A = arith.mulf %sub3A_33, %sub3A_33 : vector<10000x128xf32>
    %reduce_sum3A_34 = arith.constant dense<0.000000e+00> : vector<128xf32>
    %reduce_sum3A_35 = vector.multi_reduction <add>, %mul3A, %reduce_sum3A_34 [0] : vector<10000x128xf32> to vector<128xf32>
    %broadcast_in_dim3A_36 = vector.shape_cast %reduce_sum3A_35 : vector<128xf32> to vector<1x128xf32>
    %div3A_37 = arith.constant 1.000000e+04 : f32
    %div3A_38 = vector.broadcast %div3A_37 : f32 to vector<1x128xf32>
    %div3A_39 = arith.divf %broadcast_in_dim3A_36, %div3A_38 : vector<1x128xf32>
    %add3A_40 = arith.constant 9.99999974E-6 : f32
    %add3A_41 = vector.broadcast %add3A_40 : f32 to vector<1x128xf32>
    %add3A_42 = arith.addf %div3A_39, %add3A_41 : vector<1x128xf32>
    %rsqrt3A = math.rsqrt %add3A_42 : vector<1x128xf32>
    %mul3A_43 = vector.broadcast %rsqrt3A : vector<1x128xf32> to vector<10000x128xf32>
    %mul3A_44 = arith.mulf %sub3A_33, %mul3A_43 : vector<10000x128xf32>
    %get3A_45 = arith.constant 0 : index
    %get3A_46 = arith.constant 0 : index
    %get3A_47 = vector.load %arg6[%get3A_45, %get3A_46] : memref<1x128xf32, #tpu.memory_space<vmem>>, vector<1x128xf32>
    %mul3A_48 = vector.broadcast %get3A_47 : vector<1x128xf32> to vector<10000x128xf32>
    %mul3A_49 = arith.mulf %mul3A_44, %mul3A_48 : vector<10000x128xf32>
    %get3A_50 = arith.constant 0 : index
    %get3A_51 = arith.constant 0 : index
    %get3A_52 = vector.load %arg7[%get3A_50, %get3A_51] : memref<1x128xf32, #tpu.memory_space<vmem>>, vector<1x128xf32>
    %add3A_53 = vector.broadcast %get3A_52 : vector<1x128xf32> to vector<10000x128xf32>
    %add3A_54 = arith.addf %mul3A_49, %add3A_53 : vector<10000x128xf32>
    %swap3A = arith.constant 0 : index
    %swap3A_55 = arith.constant 0 : index
    %swap3A_56 = vector.load %arg8[%swap3A, %swap3A_55] : memref<10000x128xf32, #tpu.memory_space<vmem>>, vector<10000x128xf32>
    tpu.vector_store %arg8[%swap3A, %swap3A_55], %add3A_54 {strides = array<i32>} : memref<10000x128xf32, #tpu.memory_space<vmem>>, vector<10000x128xf32>,
    return
  }
}

module attributes {stable_mosaic.version = 14 : i64} {
  func.func @_tc_mlp_bn_narrow(%arg0: memref<10112x128xf32, #tpu.memory_space<vmem>>, %arg1: memref<10112x128xf32, #tpu.memory_space<vmem>>, %arg2: memref<128x128xf32, #tpu.memory_space<vmem>>, %arg3: memref<1x128xf32, #tpu.memory_space<vmem>>, %arg4: memref<128x128xf32, #tpu.memory_space<vmem>>, %arg5: memref<1x128xf32, #tpu.memory_space<vmem>>, %arg6: memref<1x128xf32, #tpu.memory_space<vmem>>, %arg7: memref<1x128xf32, #tpu.memory_space<vmem>>, %arg8: memref<10000x2xf32, #tpu.memory_space<vmem>>) attributes {dimension_semantics = [], scalar_prefetch = 0 : i64, scratch_operands = 0 : i64, tpu.core_type = #tpu.core_type<tc>} {
    %get3A = arith.constant 0 : index
    %get3A_0 = arith.constant 0 : index
    %get3A_1 = vector.load %arg0[%get3A, %get3A_0] : memref<10112x128xf32, #tpu.memory_space<vmem>>, vector<10112x128xf32>
    %slice3A = vector.extract_strided_slice %get3A_1 {offsets = [0, 0], sizes = [10000, 128], strides = [1, 1]} : vector<10112x128xf32> to vector<10000x128xf32>
    %get3A_2 = arith.constant 0 : index
    %get3A_3 = arith.constant 0 : index
    %get3A_4 = vector.load %arg1[%get3A_2, %get3A_3] : memref<10112x128xf32, #tpu.memory_space<vmem>>, vector<10112x128xf32>
    %slice3A_5 = vector.extract_strided_slice %get3A_4 {offsets = [0, 0], sizes = [10000, 128], strides = [1, 1]} : vector<10112x128xf32> to vector<10000x128xf32>
    %add3A = arith.addf %slice3A, %slice3A_5 : vector<10000x128xf32>
    %get3A_6 = arith.constant 0 : index
    %get3A_7 = arith.constant 0 : index
    %get3A_8 = vector.load %arg2[%get3A_6, %get3A_7] : memref<128x128xf32, #tpu.memory_space<vmem>>, vector<128x128xf32>
    %dot_general3A = arith.constant dense<0.000000e+00> : vector<10000x128xf32>
    %dot_general3A_9 = tpu.matmul %add3A, %get3A_8, %dot_general3A {dimension_numbers = #tpu.dot_dimension_numbers<[1], [0], [0], [1], [0, 0, 1, 1], [], []>, transpose_lhs_hint = false} : vector<10000x128xf32>, vector<128x128xf32>, vector<10000x128xf32> -> vector<10000x128xf32>
    %get3A_10 = arith.constant 0 : index
    %get3A_11 = arith.constant 0 : index
    %get3A_12 = vector.load %arg3[%get3A_10, %get3A_11] : memref<1x128xf32, #tpu.memory_space<vmem>>, vector<1x128xf32>
    %add3A_13 = vector.broadcast %get3A_12 : vector<1x128xf32> to vector<10000x128xf32>
    %add3A_14 = arith.addf %dot_general3A_9, %add3A_13 : vector<10000x128xf32>
    %max3A = arith.constant 0.000000e+00 : f32
    %max3A_15 = vector.broadcast %max3A : f32 to vector<10000x128xf32>
    %max3A_16 = arith.maximumf %add3A_14, %max3A_15 : vector<10000x128xf32>
    %get3A_17 = arith.constant 0 : index
    %get3A_18 = arith.constant 0 : index
    %get3A_19 = vector.load %arg4[%get3A_17, %get3A_18] : memref<128x128xf32, #tpu.memory_space<vmem>>, vector<128x128xf32>
    %dot_general3A_20 = arith.constant dense<0.000000e+00> : vector<10000x128xf32>
    %dot_general3A_21 = tpu.matmul %max3A_16, %get3A_19, %dot_general3A_20 {dimension_numbers = #tpu.dot_dimension_numbers<[1], [0], [0], [1], [0, 0, 1, 1], [], []>, transpose_lhs_hint = false} : vector<10000x128xf32>, vector<128x128xf32>, vector<10000x128xf32> -> vector<10000x128xf32>
    %get3A_22 = arith.constant 0 : index
    %get3A_23 = arith.constant 0 : index
    %get3A_24 = vector.load %arg5[%get3A_22, %get3A_23] : memref<1x128xf32, #tpu.memory_space<vmem>>, vector<1x128xf32>
    %add3A_25 = vector.broadcast %get3A_24 : vector<1x128xf32> to vector<10000x128xf32>
    %add3A_26 = arith.addf %dot_general3A_21, %add3A_25 : vector<10000x128xf32>
    %max3A_27 = arith.constant 0.000000e+00 : f32
    %max3A_28 = vector.broadcast %max3A_27 : f32 to vector<10000x128xf32>
    %max3A_29 = arith.maximumf %add3A_26, %max3A_28 : vector<10000x128xf32>
    %reduce_sum3A = arith.constant dense<0.000000e+00> : vector<128xf32>
    %reduce_sum3A_30 = vector.multi_reduction <add>, %max3A_29, %reduce_sum3A [0] : vector<10000x128xf32> to vector<128xf32>
    %broadcast_in_dim3A = vector.shape_cast %reduce_sum3A_30 : vector<128xf32> to vector<1x128xf32>
    %div3A = arith.constant 1.000000e+04 : f32
    %div3A_31 = vector.broadcast %div3A : f32 to vector<1x128xf32>
    %div3A_32 = arith.divf %broadcast_in_dim3A, %div3A_31 : vector<1x128xf32>
    %sub3A = vector.broadcast %div3A_32 : vector<1x128xf32> to vector<10000x128xf32>
    %sub3A_33 = arith.subf %max3A_29, %sub3A : vector<10000x128xf32>
    %mul3A = arith.mulf %sub3A_33, %sub3A_33 : vector<10000x128xf32>
    %reduce_sum3A_34 = arith.constant dense<0.000000e+00> : vector<128xf32>
    %reduce_sum3A_35 = vector.multi_reduction <add>, %mul3A, %reduce_sum3A_34 [0] : vector<10000x128xf32> to vector<128xf32>
    %broadcast_in_dim3A_36 = vector.shape_cast %reduce_sum3A_35 : vector<128xf32> to vector<1x128xf32>
    %div3A_37 = arith.constant 1.000000e+04 : f32
    %div3A_38 = vector.broadcast %div3A_37 : f32 to vector<1x128xf32>
    %div3A_39 = arith.divf %broadcast_in_dim3A_36, %div3A_38 : vector<1x128xf32>
    %add3A_40 = arith.constant 9.99999974E-6 : f32
    %add3A_41 = vector.broadcast %add3A_40 : f32 to vector<1x128xf32>
    %add3A_42 = arith.addf %div3A_39, %add3A_41 : vector<1x128xf32>
    %rsqrt3A = math.rsqrt %add3A_42 : vector<1x128xf32>
    %mul3A_43 = vector.broadcast %rsqrt3A : vector<1x128xf32> to vector<10000x128xf32>
    %mul3A_44 = arith.mulf %sub3A_33, %mul3A_43 : vector<10000x128xf32>
    %get3A_45 = arith.constant 0 : index
    %get3A_46 = arith.constant 0 : index
    %get3A_47 = vector.load %arg6[%get3A_45, %get3A_46] : memref<1x128xf32, #tpu.memory_space<vmem>>, vector<1x128xf32>
    %mul3A_48 = vector.broadcast %get3A_47 : vector<1x128xf32> to vector<10000x128xf32>
    %mul3A_49 = arith.mulf %mul3A_44, %mul3A_48 : vector<10000x128xf32>
    %get3A_50 = arith.constant 0 : index
    %get3A_51 = arith.constant 0 : index
    %get3A_52 = vector.load %arg7[%get3A_50, %get3A_51] : memref<1x128xf32, #tpu.memory_space<vmem>>, vector<1x128xf32>
    %add3A_53 = vector.broadcast %get3A_52 : vector<1x128xf32> to vector<10000x128xf32>
    %add3A_54 = arith.addf %mul3A_49, %add3A_53 : vector<10000x128xf32>
    %slice3A_55 = vector.extract_strided_slice %add3A_54 {offsets = [0, 0], sizes = [10000, 2], strides = [1, 1]} : vector<10000x128xf32> to vector<10000x2xf32>
    %swap3A = arith.constant 0 : index
    %swap3A_56 = arith.constant 0 : index
    %swap3A_57 = vector.load %arg8[%swap3A, %swap3A_56] : memref<10000x2xf32, #tpu.memory_space<vmem>>, vector<10000x2xf32>
    tpu.vector_store %arg8[%swap3A, %swap3A_56], %slice3A_55 {strides = array<i32>} : memref<10000x2xf32, #tpu.memory_space<vmem>>, vector<10000x2xf32>,
    return
  }
}

</mosaic_0001>

<sc_bundles>
// kernel: kernel.6.cloned.1.call-start
scs
__scs_entry_jumppad:
0x0: {  	(pc) =	sbr.rel $0x88, $3  }
0x1: {  	(tag) =	ssettag $0x0;
	lr =	simm.s32 $0x1  }
0x2: {  	[smem:$0x3F93] =	sst lr;
	_ =	strace $0xD0000000  }
0x3: {  	_ = 	snop  }
0x4: {  	_ = 	snop  }
0x5: {  	_ = 	snop  }
0x6: {  	_ = 	snop  }
0x7: {  	_ = 	snop  }
__scs_overlays_trampoline_lowered:
0x8: {  	[smem:$0x3FA2] =	sst s0  }
0x9: {  	[smem:$0x3FA3] =	sst s1  }
0xa: {  	[smem:$0x3FA4] =	sst s2  }
0xb: {  	[smem:$0x3FA5] =	sst s3  }
0xc: {  	[smem:$0x3FA6] =	sst s4  }
0xd: {  	[smem:$0x3FA7] =	sst s5  }
0xe: {  	[smem:$0x3FA8] =	sst s6  }
0xf: {  	[smem:$0x3FA9] =	sst s7  }
0x10: {  	[smem:$0x3FAA] =	sst s8  }
0x11: {  	[smem:$0x3FAB] =	sst s9;
	s0 =	simm.s32 @!p0 $0x0  }
0x12: {  	s1 =	sld [smem:$0x3F91];
	s0 =	simm.s32 @p0 $0x1  }
0x13: {  	[smem:$0x3FAC] =	sst s0;
	s0 =	simm.s32 @!p1 $0x0  }
0x14: {  	s2 =	sld [smem:$0x3F90];
	s0 =	simm.s32 @p1 $0x1  }
0x15: {  	[smem:$0x3FAD] =	sst s0;
	s0 =	simm.s32 @!p2 $0x0  }
0x16: {  	s3 =	sld [smem:$0x3FDB];
	s0 =	simm.s32 @p2 $0x1  }
0x17: {  	s4 =	simm.s32 $0x1BF5;
	[smem:$0x3FAF] =	sst s0  }
0x18: {  	s0 =	sld [smem:$0x3F92];
	_ =	swait.ge [sflag:s4], $0x0  }
0x19: {  	s7 =	sld [smem:$0x3F93]  }
0x1a: {  	s8 =	sadd.s32 $0xFFFFE003, lr  }
0x1b: {  	s9 =	sadd.s32 $0xFFFFFEF7, lr;
	s5 =	simm.s32 $0xFFFFFFFF;
	p2 =	slt.u32 s8, $0xFFFFF086  }
0x1c: {  	p1 =	slt.u32 s9, $0xF7A;
	s5 =	simm.s32 @!p2 $0x0  }
0x1d: {  	s5 =	simm.s32 @p1 $0x1;
	p0 =	seq.s32 s7, s2  }
0x1e: {  	s7 =	smul.u32 @!p0 $0xF7A, s2;
	p2 =	seq.s32 @!p0 s5, $0x0  }
0x1f: {  	s9 =	smul.u32 $0xF7A, s1;
	s8 =	simm.s32 @!p0 $0x1BF5;
	p2 =	por !p2, p0  }
0x20: {  	[sflag:s8] =	ssyncset.s32 @!p0 $0xFFFFF086;
	s6 =	sadd.s32 @!p0 s3, s7;
	s7 =	simm.s32 @!p0 $0x108  }
0x21: {  	s3 =	sadd.s32 s3, s9;
	s6 =	sadd.s32 @!p0 $0x88, s6;
	s7 =	simm.s32 @p2 $0x1082  }
0x22: {  	[simem:s7], [sflag:s8] =	dma.local @!p0 [hbm:s6], $0xF7A  }
0x23: {  	s9 =	sor.u32 $0xD0000000, s2;
	s6 =	simm.s32 $0x108;
	_ =	swait.ge @!p0 [sflag:s8], $0x0  }
0x24: {  	s3 =	sadd.s32 $0x88, s3;
	s6 =	simm.s32 @!p1 $0x1082;
	[sflag:s4] =	ssyncset.s32 $0xFFFFF086  }
0x25: {  	[simem:s6], [sflag:s4] =	dma.local [hbm:s3], $0xF7A  }
0x26: {  	[smem:$0x3F93] =	sst s1;
	(tag) =	ssettag s2;
	_ =	strace s9  }
0x27: {  	s1 =	sld [smem:$0x3FA3]  }
0x28: {  	s2 =	sld [smem:$0x3FA4]  }
0x29: {  	s4 =	sld [smem:$0x3FA6]  }
0x2a: {  	p0 =	seq.s32 s5, $0x0;
	s5 =	sld [smem:$0x3FA7]  }
0x2b: {  	s6 =	sld [smem:$0x3FA8]  }
0x2c: {  	s7 =	sld [smem:$0x3FA9]  }
0x2d: {  	s3 =	simm.s32 $0x108;
	s8 =	sld [smem:$0x3FAA]  }
0x2e: {  	s3 =	simm.s32 @!p0 $0x1082;
	s9 =	sld [smem:$0x3FAB]  }
0x2f: {  	lr =	sadd.s32 s0, s3;
	s0 =	sld [smem:$0x3FA2]  }
0x30: {  	s3 =	sld [smem:$0x3FA5]  }
0x31: {  	[smem:$0x3FAE] =	sst s10  }
0x32: {  	s10 =	sld [smem:$0x3FAC];
	_ =	sdelay $0x3  }
0x33: {  	p0 =	seq.s32 s10, $0x1;
	s10 =	sld [smem:$0x3FAE];
	_ =	sdelay $0x3  }
0x34: {  	[smem:$0x3FAE] =	sst s10  }
0x35: {  	s10 =	sld [smem:$0x3FAD];
	_ =	sdelay $0x3  }
0x36: {  	p1 =	seq.s32 s10, $0x1;
	s10 =	sld [smem:$0x3FAE];
	_ =	sdelay $0x3  }
0x37: {  	[smem:$0x3FAE] =	sst s10  }
0x38: {  	s10 =	sld [smem:$0x3FAF]  }
0x39: {  	_ = 	snop;
	(pc) =	sbr.ind lr, $3  }
0x3a: {  	_ = 	snop  }
0x3b: {  	_ = 	snop  }
0x3c: {  	p2 =	seq.s32 s10, $0x1;
	s10 =	sld [smem:$0x3FAE]  }
0x3d: {  	_ =	shalt  }
0x3e: {  	_ =	shalt  }
0x3f: {  	_ =	shalt  }
0x40: {  	_ =	shalt  }
0x41: {  	_ =	shalt  }
0x42: {  	_ =	shalt  }
0x43: {  	_ =	shalt  }
0x44: {  	_ =	shalt  }
0x45: {  	_ =	shalt  }
0x46: {  	_ =	shalt  }
0x47: {  	_ =	shalt  }
0x48: {  	_ =	shalt  }
0x49: {  	_ =	shalt  }
0x4a: {  	_ =	shalt  }
0x4b: {  	_ =	shalt  }
0x4c: {  	_ =	shalt  }
0x4d: {  	_ =	shalt  }
0x4e: {  	_ =	shalt  }
0x4f: {  	_ =	shalt  }
0x50: {  	_ =	shalt  }
0x51: {  	_ =	shalt  }
0x52: {  	_ =	shalt  }
0x53: {  	_ =	shalt  }
0x54: {  	_ =	shalt  }
0x55: {  	_ =	shalt  }
0x56: {  	_ =	shalt  }
0x57: {  	_ =	shalt  }
0x58: {  	_ =	shalt  }
0x59: {  	_ =	shalt  }
0x5a: {  	_ =	shalt  }
0x5b: {  	_ =	shalt  }
0x5c: {  	_ =	shalt  }
0x5d: {  	_ =	shalt  }
0x5e: {  	_ =	shalt  }
0x5f: {  	_ =	shalt  }
0x60: {  	_ =	shalt  }
0x61: {  	_ =	shalt  }
0x62: {  	_ =	shalt  }
0x63: {  	_ =	shalt  }
0x64: {  	_ =	shalt  }
0x65: {  	_ =	shalt  }
0x66: {  	_ =	shalt  }
0x67: {  	_ =	shalt  }
0x68: {  	_ =	shalt  }
0x69: {  	_ =	shalt  }
0x6a: {  	_ =	shalt  }
0x6b: {  	_ =	shalt  }
0x6c: {  	_ =	shalt  }
0x6d: {  	_ =	shalt  }
0x6e: {  	_ =	shalt  }
0x6f: {  	_ =	shalt  }
0x70: {  	_ =	shalt  }
0x71: {  	_ =	shalt  }
0x72: {  	_ =	shalt  }
0x73: {  	_ =	shalt  }
0x74: {  	_ =	shalt  }
0x75: {  	_ =	shalt  }
0x76: {  	_ =	shalt  }
0x77: {  	_ =	shalt  }
0x78: {  	_ =	shalt  }
0x79: {  	_ =	shalt  }
0x7a: {  	_ =	shalt  }
0x7b: {  	_ =	shalt  }
0x7c: {  	_ =	shalt  }
0x7d: {  	_ =	shalt  }
0x7e: {  	_ =	shalt  }
0x7f: {  	_ =	shalt  }
0x80: {  	_ =	shalt  }
0x81: {  	_ =	shalt  }
0x82: {  	_ =	shalt  }
0x83: {  	_ =	shalt  }
0x84: {  	_ =	shalt  }
0x85: {  	_ =	shalt  }
0x86: {  	_ =	shalt  }
0x87: {  	_ =	shalt  }
.Lfunc_end0:
.L_simem_size_0:
called_computation_lowered:
.L_overlay_start_0:
0x88: {  	s2 =	sld [smem:$0x3FD9]  }
0x89: {  	s3 =	sld [smem:$0x3FFE];
	_ =	sdelay $0x1  }
0x8a: {  	s1 =	srdreg.scid  }
0x8b: {  	s0 =	sand.u32 $0x1, s1  }
0x8c: {  	s17 =	sshll.u32 s0, $0xA;
	s2 =	sadd.s32 s3, s2  }
0x8d: {  	s2 =	sadd.s32 s2, s17  }
0x8e: {  	[smem:$0x3FBA] =	sst s2  }
0x8f: {  	_ = 	snop  }
0x90: {  	s2 =	sld [smem:$0x3FC9];
	(tm) =	ssettm $0x1  }
0x91: {  	s18 =	sld [smem:$0x3FFB];
	_ =	sdelay $0x3  }
0x92: {  	_ =	strace s18  }
0x93: {  	s3 =	sld [smem:$0x3FFC];
	_ =	sdelay $0x3  }
0x94: {  	_ =	strace s3  }
0x95: {  	s3 =	sld [smem:$0x3FFD];
	_ =	sdelay $0x3  }
0x96: {  	_ =	strace s3  }
0x97: {  	_ =	strace $0x8FFFFFFF  }
0x98: {  	s19 =	sld [smem:$0x3FDB];
	_ =	sdelay $0x1  }
0x99: {  	s4 =	simm.s32 $_scs_section_size  }
0x9a: {  	s5 =	simm.s32 $_size__tile_overlayer_lowered;
	s6 =	simm.s32 $_tile_overlayer_lowered  }
0x9b: {  	s22 =	simm.s32 $0x1BFF;
	s21 =	sshll.u32 s6, $0x1;
	s3 =	sadd.s32 s4, s19  }
0x9c: {  	s7 =	simm.s32 $0x0;
	s20 =	sshll.u32 s5, $0x1;
	s5 =	sadd.s32 s21, s3  }
0x9d: {  	[timem:s7], [sflag:s22] =	dma.local [hbm:s5], s20  }
0x9e: {  	_ =	swait.ge [sflag:s22], s20  }
0x9f: {  	s4 =	ssub.s32 $0x0, s20;
	[sflag:s22] =	ssyncset.done $0x0  }
0xa0: {  	[sflag:s22] =	ssyncadd.s32 s4;
	_ =	sdelay $0x1  }
0xa1: {  	s23 =	simm.s32 $0x1B8B  }
0xa2: {  	_ =	swait.ge [sflag:s23], $0x1  }
0xa3: {  	[sflag:s23] =	ssyncset.done $0x0  }
0xa4: {  	s25 =	simm.s32 $0x1B8E;
	s24 =	sld [smem:$0x3FFE];
	[sflag:s23] =	ssyncadd.s32 $0xFFFFFFFF  }
0xa5: {  	s26 =	simm.s32 $execute0_lowered;
	[smem:$0x3FD2] =	sst s25  }
0xa6: {  	s5 =	sshll.u32 s26, $0x1;
	_ =	strace $0x80000046;
	[dreg:$0x1] =	wrdreg $0xFFFFFFFF  }
0xa7: {  	s28 =	simm.s32 $_size_execute0_lowered;
	s3 =	sadd.s32 s3, s5;
	[dreg:$0x0] =	wrdreg $0x0  }
0xa8: {  	s5 =	sshll.u32 s28, $0x1;
	[dreg:$0x2] =	wrdreg s3  }
0xa9: {  	[dreg:$0x3] =	wrdreg s5  }
0xaa: {  	[dreg:$0x4] =	wrdreg $0xC0  }
0xab: {  	_ =	task [dreg:s7], $0x5FFFF  }
0xac: {  	[dreg:$0x1] =	wrdreg $0xFFFFFFFF  }
0xad: {  	[dreg:$0x0] =	wrdreg $0x60  }
0xae: {  	[dreg:$0x2] =	wrdreg s2  }
0xaf: {  	[dreg:$0x3] =	wrdreg s24  }
0xb0: {  	[dreg:$0x4] =	wrdreg $0xB8000  }
0xb1: {  	[dreg:$0x5] =	wrdreg $0x9  }
0xb2: {  	_ =	task.clear_ibuf [dreg:s7], $0x6FFFF;
	_ =	strace $0x90000046  }
0xb3: {  	s29 =	simm.s32 $0x9;
	_ =	strace $0x80000048  }
0xb4: {  	_ =	swait.ge [sflag:s29], $0x1  }
0xb5: {  	[sflag:s29] =	ssyncadd.s32 $0xFFFFFFFF  }
0xb6: {  	_ =	strace $0x90000048  }
0xb7: {  	_ =	sfence  }
0xb8: {  	s30 =	sld [smem:$0x0];
	_ =	sdelay $0x2  }
0xb9: {  	s31 =	sshll.u32 s1, $0xD;
	s1 =	sshrl.u32 s1, $0x2  }
0xba: {  	s3 =	sand.u32 $0x4000, s31;
	s1 =	sadd.s32 s1, s30  }
0xbb: {  	s0 =	sor.u32 s3, s0;
	s1 =	sshll.u32 s1, $0x11  }
0xbc: {  	s0 =	sor.u32 s1, s0  }
0xbd: {  	s0 =	sadd.s32 $0x8F2B, s0  }
0xbe: {  	[sflag:s0] =	ssyncadd.remote.s32 $0x1  }
0xbf: {  	_ =	sfence.sel $0xFFFF  }
0xc0: {  	[dreg:$0x0] =	wrdreg $0xFFFFFFFF;
	(pc) =	sbr.abs _section_cstart, $3  }
0xc1: {  	[dreg:$0x1] =	wrdreg $0xFFFFFFFF  }
0xc2: {  	_ =	task.clear_ibuf [dreg:s7], $0x2FFFF;
	_ =	strace $0x9FFFFFFF  }
0xc3: {  	(tm) =	ssettm $0x7FFFFFFF  }
tec
execute0_lowered:
.L_overlay_start_1:
0x0: {  	(tag) =	ssettag $0x1  }
0x1: {  	s0 =	rddreg [dreg:$0x0]  }
0x2: {  	s1 =	srdreg.scid;
	s2 =	rddreg [dreg:$0x1]  }
0x3: {  	s3 =	rddreg [dreg:$0x2];
	s22 =	stileid.u32  }
0x4: {  	s4 =	simm.s32 $0x0;
	s16 =	simm.s32 $0x9;
	s18 =	simm.s32 $0x70  }
0x5: {  	s19 =	simm.s32 $0x1000;
	s28 =	simm.s32 $0x8000;
	s29 =	simm.s32 $0x2  }
0x6: {  	s30 =	simm.s32 $0x4;
	s31 =	simm.s32 $0x3;
	s17 =	simm.s32 $0x6  }
0x7: {  	s1 =	sand.u32 $0x1, s1;
	[smem:$0x7FF] =	sst s4;
	s23 =	smul.u32 $0x4F000, s22  }
0x8: {  	s6 =	sadd.s32 $0x21200, s2;
	s10 =	sadd.s32 $0x23A00, s2;
	s24 =	smul.u32 $0x2780, s22  }
0x9: {  	p0 =	sne.s32 s22, $0xF;
	p2 =	seq.s32 s22, $0xF;
	s13 =	smul.u32 $0x3C00, s22  }
0xa: {  	s14 =	sadd.s32 $0x25080, s0;
	s5 =	sshll.u32 s1, $0x4;
	_ =	strace $0x80000047  }
0xb: {  	s8 =	ssub.s32 $0x2, s1;
	p1 =	seq.s32 s1, $0x0;
	s12 =	smul.u32 $0x3C000, s1  }
0xc: {  	[dreg:$0x6] =	wrdreg s14;
	s14 =	sadd.s32 $0x138800, s3;
	s5 =	sor.u32 s22, s5  }
0xd: {  	s9 =	sshrl.u32 s8, $0x1;
	p0 =	por !p1, !p0;
	p2 =	por !p1, !p2  }
0xe: {  	s15 =	sadd.s32 s0, s24;
	s7 =	smul.u32 $0x3C00, s5;
	s5 =	sadd.s32 $0x3200, s2  }
0xf: {  	s2 =	sadd.s32 $0x4B200, s2;
	s20 =	ssub.s32 s8, s9;
	p0 =	por !p0, !p0  }
0x10: {  	p2 =	por !p2, !p2;
	s8 =	sshrl.u32 s23, $0x2;
	[dreg:$0x7] =	wrdreg s15  }
0x11: {  	s12 =	sadd.s32 s13, s12;
	s9 =	sadd.s32 s8, s3;
	s8 =	sadd.s32 $0x128400, s3  }
0x12: {  	s2 =	smov.u32 @p1 s10;
	s25 =	sadd.s32 $0x78400, s12;
	p1 =	por p2, p0  }
0x13: {  	s15 =	sadd.s32 $0x400, s12;
	s7 =	sshrl.u32 s7, $0x3;
	s2 =	sadd.s32 s2, s24  }
0x14: {  	s26 =	sshrl.u32 s25, $0x3;
	p1 =	seq.s32 @!p1 s1, $0x0;
	s11 =	sadd.s32 s5, s7  }
0x15: {  	s7 =	smax.u32 s20, $0x1;
	[dreg:$0x9] =	wrdreg s2;
	s2 =	sadd.s32 s26, s5  }
0x16: {  	p1 =	por @!p0 p1, p2;
	p2 =	por !p2, p0;
	[dreg:$0x4] =	wrdreg s11  }
0x17: {  	s26 =	simm.s32 $0x1;
	s20 =	simm.s32 $0x7;
	[dreg:$0x8] =	wrdreg s7  }
.Ltmp0:
0x18: {  	s21 =	sadd.s32 $0xF000, s11;
	[dreg:$0xa] =	wrdreg s2;
	(pc) =	sbr.rel .LBB2_1-.Ltmp0, $4  }
0x19: {  	p1 =	por p1, p0;
	s24 =	sshrl.u32 @!p2 s8, $0x3;
	s25 =	sshrl.u32 @!p2 s14, $0x3  }
0x1a: {  	s8 =	simm.s32 $0x8;
	s2 =	simm.s32 $0x0;
	s1 =	sshll.u32 @!p1 s22, $0x6  }
0x1b: {  	[dreg:$0x5] =	wrdreg s21;
	s21 =	simm.s32 $0x4800;
	s1 =	sor.u32 @!p1 $0x1C09, s1  }
0x1c: {  	s23 =	sshrl.u32 @!p1 s9, $0x3;
	[dreg:$0xb] =	wrdreg s1;
	s1 =	simm.s32 $0x5  }
.LBB2_3:
0x1d: {  	_ =	swait.ge [sflag:s31], $0x3800  }
0x1e: {  	[sflag:s31] =	ssyncset.done $0x0  }
0x1f: {  	s7 =	sor.u32 $0x800, s13;
	[sflag:s31] =	ssyncadd.s32 $0xFFFFC800  }
0x20: {  	[spmem:s3] =	stream.indirect.scatter.add.f32 [tilespmem:s28], [sflag:$0x6], $0x80, s7, s18, $0xb8;
	[tilespmem:$0x1F400] =	vst v63  }
0x21: {  	_ =	swait.ge [sflag:s1], $0x3800  }
0x22: {  	[sflag:s1] =	ssyncset.done $0x0  }
0x23: {  	[sflag:s1] =	ssyncadd.s32 $0xFFFFC800  }
.LBB2_5:
0x24: {  	_ =	swait.ge [sflag:s17], $0x3800  }
0x25: {  	[sflag:s17] =	ssyncset.done $0x0  }
0x26: {  	s22 =	stileid.u32;
	[sflag:s17] =	ssyncadd.s32 $0xFFFFC800  }
0x27: {  	s7 =	sshll.u32 s22, $0x6;
	[bflag:$0x0] =	sbarrier.arrive $0xFFFF  }
0x28: {  	s10 =	sshrl.u32 s9, $0x3;
	s7 =	sor.u32 $0x1C09, s7;
	s11 =	rddreg [dreg:$0x9]  }
0x29: {  	[hbm:s11], [sflag:s7] =	dma.local [spmem:s10], $0x2780  }
0x2a: {  	_ =	swait.ge [sflag:s16], $0x2780  }
0x2b: {  	s2 =	sadd.s32 $0x1, s2;
	s14 =	rddreg [dreg:$0x8]  }
0x2c: {  	p3 =	sne.s32 s2, s14  }
.Ltmp1:
0x2d: {  	_ = 	snop;
	(pc) =	sbr.rel @!p3 .LBB2_6-.Ltmp1, $3  }
0x2e: {  	_ =	sdelay $0x1  }
0x2f: {  	[sflag:s16] =	ssyncset.done $0x0  }
0x30: {  	[sflag:s16] =	ssyncadd.s32 $0xFFFFD880  }
.LBB2_1:
0x31: {  	s7 =	rddreg [dreg:$0x4]  }
0x32: {  	[tilespmem:s4], [sflag:$0x9] =	stream.linear.gather [hbm4b:s7+s4], $0x300, $0x38;
	[tilespmem:$0x1F400] =	vst v63  }
0x33: {  	_ =	swait.ge [sflag:s16], $0x300  }
0x34: {  	[sflag:s16] =	ssyncset.done $0x0  }
0x35: {  	s10 =	simm.s32 $0x800;
	s13 =	rddreg [dreg:$0x5];
	[sflag:s16] =	ssyncadd.s32 $0xFFFFFD00  }
0x36: {  	[tilespmem:s10], [sflag:$0x9] =	stream.linear.gather [hbm4b:s13+s4], $0x300, $0x38;
	[tilespmem:$0x1F400] =	vst v63  }
0x37: {  	_ =	swait.ge [sflag:s16], $0x300  }
0x38: {  	[sflag:s16] =	ssyncset.done $0x0  }
0x39: {  	[sflag:s16] =	ssyncadd.s32 $0xFFFFFD00  }
0x3a: {  	[tilespmem:s19], [sflag:$0x1] =	stream.indirect.gather [hbm4b:s0+s18], $0x80, s4, s18, $0xb8;
	[tilespmem:$0x1F400] =	vst v63  }
0x3b: {  	s14 =	simm.s32 $0x80;
	s7 =	rddreg [dreg:$0xb]  }
0x3c: {  	[tilespmem:s21], [sflag:$0x2] =	stream.indirect.gather [hbm4b:s0+s18], $0x80, s14, s18, $0xb8;
	[tilespmem:$0x1F400] =	vst v63  }
0x3d: {  	[spmem:s23], [sflag:s7] =	dma.local @!p1 [hbm:s6], $0x2780  }
0x3e: {  	s7 =	simm.s32 @!p1 $0x9  }
0x3f: {  	_ =	swait.ge @!p1 [sflag:s7], $0x2780  }
0x40: {  	s11 =	simm.s32 @!p2 $0x9;
	[sflag:s7] =	ssyncset.done @!p1 $0x0  }
0x41: {  	s10 =	rddreg [dreg:$0x6];
	[sflag:s7] =	ssyncadd.s32 @!p1 $0xFFFFD880;
	s7 =	simm.s32 @!p2 $0x1FC9  }
0x42: {  	[spmem:s24], [sflag:s7] =	dma.local @!p2 [hbm:s10], $0x2080  }
0x43: {  	_ =	swait.ge @!p2 [sflag:s11], $0x2080  }
0x44: {  	[sflag:s11] =	ssyncset.done @!p2 $0x0  }
0x45: {  	[sflag:s11] =	ssyncadd.s32 @!p2 $0xFFFFDF80  }
0x46: {  	[spmem:s25], [sflag:s7] =	dma.local @!p2 [hbm:s6], $0x700  }
0x47: {  	s7 =	sshll.u32 @p0 s22, $0x6;
	_ =	swait.ge @!p2 [sflag:s11], $0x700  }
0x48: {  	s7 =	sor.u32 @p0 $0x1C09, s7;
	[sflag:s11] =	ssyncset.done @!p2 $0x0  }
0x49: {  	s10 =	rddreg [dreg:$0x7];
	[sflag:s11] =	ssyncadd.s32 @!p2 $0xFFFFF900;
	s11 =	sshrl.u32 @p0 s9, $0x3  }
0x4a: {  	[spmem:s11], [sflag:s7] =	dma.local @p0 [hbm:s10], $0x2780  }
0x4b: {  	s7 =	simm.s32 @p0 $0x9  }
0x4c: {  	_ =	swait.ge @p0 [sflag:s7], $0x2780  }
0x4d: {  	[sflag:s7] =	ssyncset.done @p0 $0x0  }
0x4e: {  	[sflag:s7] =	ssyncadd.s32 @p0 $0xFFFFD880  }
0x4f: {  	[bflag:$0x0] =	sbarrier.arrive $0xFFFF  }
0x50: {  	s11 =	simm.s32 $0x0;
	s7 =	simm.s32 $0x1;
	s14 =	rddreg [dreg:$0xa]  }
.LBB2_2:
0x51: {  	p3 =	seq.s32 s11, $0x3800  }
0x52: {  	s13 =	sadd.s32 @!p3 s11, s15  }
0x53: {  	s12 =	sand.u32 $0x1, s7;
	s13 =	sshrl.u32 @!p3 s13, $0x3  }
0x54: {  	s10 =	sshll.u32 @!p3 s12, $0xA;
	s22 =	simm.s32 @!p3 $0x0;
	s13 =	sadd.s32 @!p3 s5, s13  }
0x55: {  	[tilespmem:s10], [sflag:$0x7] =	stream.linear.gather @!p3 [hbm4b:s13+s22], $0x300, $0x38;
	[tilespmem:$0x1F400] =	vst v63  }
0x56: {  	s10 =	sor.u32 @!p3 $0x800, s10  }
0x57: {  	[tilespmem:s10], [sflag:$0x8] =	stream.linear.gather @!p3 [hbm4b:s14+s22], $0x300, $0x38;
	[tilespmem:$0x1F400] =	vst v63  }
0x58: {  	_ =	swait.ge [sflag:s26], $0x3800  }
0x59: {  	s10 =	sand.u32 $0x400, s11;
	p3 =	seq.s32 s11, $0x0;
	[sflag:s26] =	ssyncset.done $0x0  }
0x5a: {  	s22 =	sor.u32 $0x800, s10;
	s13 =	simm.s32 @!p3 $0x6;
	[sflag:s26] =	ssyncadd.s32 $0xFFFFC800  }
0x5b: {  	[spmem:s3] =	stream.indirect.scatter.add.f32 [tilespmem:s19], [sflag:$0x4], $0x80, s22, s18, $0xb8;
	[tilespmem:$0x1F400] =	vst v63  }
0x5c: {  	s22 =	smov.u32 s10;
	_ =	swait.ge @!p3 [sflag:s13], $0x3800  }
0x5d: {  	s22 =	simm.s32 @p3 $0x0;
	[sflag:s13] =	ssyncset.done @!p3 $0x0  }
0x5e: {  	s22 =	sadd.s32 $0x100, s22;
	[sflag:s13] =	ssyncadd.s32 @!p3 $0xFFFFC800  }
0x5f: {  	[tilespmem:s28], [sflag:$0x3] =	stream.indirect.gather [hbm4b:s0+s18], $0x80, s22, s18, $0xb8;
	[tilespmem:$0x1F400] =	vst v63  }
0x60: {  	_ =	swait.ge [sflag:s29], $0x3800  }
0x61: {  	[sflag:s29] =	ssyncset.done $0x0  }
0x62: {  	s22 =	sadd.s32 $0x880, s10;
	[sflag:s29] =	ssyncadd.s32 $0xFFFFC800  }
0x63: {  	[spmem:s3] =	stream.indirect.scatter.add.f32 [tilespmem:s21], [sflag:$0x5], $0x80, s22, s18, $0xb8;
	[tilespmem:$0x1F400] =	vst v63  }
0x64: {  	_ =	swait.ge [sflag:s30], $0x3800  }
0x65: {  	[sflag:s30] =	ssyncset.done $0x0  }
0x66: {  	s22 =	sor.u32 $0x180, s10;
	[sflag:s30] =	ssyncadd.s32 $0xFFFFC800  }
0x67: {  	[tilespmem:s19], [sflag:$0x1] =	stream.indirect.gather [hbm4b:s0+s18], $0x80, s22, s18, $0xb8;
	[tilespmem:$0x1F400] =	vst v63  }
0x68: {  	_ =	swait.ge [sflag:s31], $0x3800  }
0x69: {  	[sflag:s31] =	ssyncset.done $0x0  }
0x6a: {  	s22 =	sadd.s32 $0x900, s10;
	[sflag:s31] =	ssyncadd.s32 $0xFFFFC800  }
0x6b: {  	[spmem:s3] =	stream.indirect.scatter.add.f32 [tilespmem:s28], [sflag:$0x6], $0x80, s22, s18, $0xb8;
	[tilespmem:$0x1F400] =	vst v63  }
0x6c: {  	_ =	swait.ge [sflag:s1], $0x3800  }
0x6d: {  	[sflag:s1] =	ssyncset.done $0x0  }
0x6e: {  	s22 =	sor.u32 $0x200, s10;
	[sflag:s1] =	ssyncadd.s32 $0xFFFFC800  }
0x6f: {  	[tilespmem:s21], [sflag:$0x2] =	stream.indirect.gather [hbm4b:s0+s18], $0x80, s22, s18, $0xb8;
	[tilespmem:$0x1F400] =	vst v63  }
0x70: {  	_ =	swait.ge [sflag:s26], $0x3800  }
0x71: {  	[sflag:s26] =	ssyncset.done $0x0  }
0x72: {  	s22 =	sor.u32 $0x980, s10;
	[sflag:s26] =	ssyncadd.s32 $0xFFFFC800  }
0x73: {  	[spmem:s3] =	stream.indirect.scatter.add.f32 [tilespmem:s19], [sflag:$0x4], $0x80, s22, s18, $0xb8;
	[tilespmem:$0x1F400] =	vst v63  }
0x74: {  	_ =	swait.ge [sflag:s17], $0x3800  }
0x75: {  	[sflag:s17] =	ssyncset.done $0x0  }
0x76: {  	s13 =	sor.u32 $0x280, s10;
	[sflag:s17] =	ssyncadd.s32 $0xFFFFC800  }
0x77: {  	[tilespmem:s28], [sflag:$0x3] =	stream.indirect.gather [hbm4b:s0+s18], $0x80, s13, s18, $0xb8;
	[tilespmem:$0x1F400] =	vst v63  }
0x78: {  	_ =	swait.ge [sflag:s29], $0x3800  }
0x79: {  	p3 =	sne.s32 s11, $0x3800;
	[sflag:s29] =	ssyncset.done $0x0  }
.Ltmp2:
0x7a: {  	s10 =	sor.u32 $0xA00, s10;
	[sflag:s29] =	ssyncadd.s32 $0xFFFFC800;
	(pc) =	sbr.rel @!p3 .LBB2_3-.Ltmp2, $4  }
0x7b: {  	[spmem:s3] =	stream.indirect.scatter.add.f32 [tilespmem:s21], [sflag:$0x5], $0x80, s10, s18, $0xb8;
	[tilespmem:$0x1F400] =	vst v63  }
0x7c: {  	_ =	swait.ge [sflag:s30], $0x3800  }
0x7d: {  	[sflag:s30] =	ssyncset.done $0x0  }
0x7e: {  	[sflag:s30] =	ssyncadd.s32 $0xFFFFC800  }
0x7f: {  	_ =	swait.ge [sflag:s20], $0x300  }
0x80: {  	[sflag:s20] =	ssyncset.done $0x0  }
0x81: {  	[sflag:s20] =	ssyncadd.s32 $0xFFFFFD00  }
0x82: {  	_ =	swait.ge [sflag:s8], $0x300  }
0x83: {  	[sflag:s8] =	ssyncset.done $0x0  }
0x84: {  	s10 =	sshll.u32 s12, $0xA;
	[sflag:s8] =	ssyncadd.s32 $0xFFFFFD00  }
0x85: {  	[tilespmem:s19], [sflag:$0x1] =	stream.indirect.gather [hbm4b:s0+s18], $0x80, s10, s18, $0xb8;
	[tilespmem:$0x1F400] =	vst v63  }
0x86: {  	_ =	swait.ge [sflag:s31], $0x3800  }
0x87: {  	s11 =	sadd.s32 $0x400, s11;
	[sflag:s31] =	ssyncset.done $0x0  }
0x88: {  	s22 =	sor.u32 $0x800, s13;
	p3 =	sne.s32 s11, $0x3C00;
	[sflag:s31] =	ssyncadd.s32 $0xFFFFC800  }
0x89: {  	[spmem:s3] =	stream.indirect.scatter.add.f32 [tilespmem:s28], [sflag:$0x6], $0x80, s22, s18, $0xb8;
	[tilespmem:$0x1F400] =	vst v63  }
.Ltmp3:
0x8a: {  	_ = 	snop;
	(pc) =	sbr.rel @p3 .LBB2_2-.Ltmp3, $4  }
.Ltmp4:
0x8b: {  	_ =	swait.ge [sflag:s1], $0x3800;
	(pc) =	sbr.rel @!p3 .LBB2_5-.Ltmp4, $4  }
0x8c: {  	s14 =	sadd.s32 $0x80, s14;
	[sflag:s1] =	ssyncset.done $0x0  }
0x8d: {  	s7 =	sadd.s32 $0x1, s7;
	s10 =	sor.u32 $0x80, s10;
	[sflag:s1] =	ssyncadd.s32 $0xFFFFC800  }
0x8e: {  	[tilespmem:s21], [sflag:$0x2] =	stream.indirect.gather [hbm4b:s0+s18], $0x80, s10, s18, $0xb8;
	[tilespmem:$0x1F400] =	vst v63  }
0x8f: {  	_ = 	snop  }
.LBB2_6:
0x90: {  	_ =	sfence.sel $0x180000  }
0x91: {  	[bflag:$0x0] =	sbarrier.arrive $0xFFFF  }
0x92: {  	_ =	strace $0x90000047  }
0x93: {  	[bflag:$0x2] =	sbarrier.arrive $0xFFFF  }
0x94: {  	p0 =	sne.s32 s22, $0x0;
	s0 =	rddreg [dreg:$0x3]  }
0x95: {  	s0 =	sadd.s32 @!p0 $0x100000, s0  }
0x96: {  	[sflag:s0] =	ssyncadd.tile.s32 @!p0 $0x1;
	_ =	shalt  }
.Lfunc_end2:
_tile_overlayer_lowered:
.L_overlay_start_2:
0x97: {  	(tag) =	ssettag $0x2  }
0x98: {  	s0 =	rddreg [dreg:$0x0];
	s2 =	stileid.u32  }
0x99: {  	s1 =	rddreg [dreg:$0x1];
	p0 =	sne.s32 s2, $0x0  }
0x9a: {  	s3 =	rddreg [dreg:$0x2];
	[bflag:$0x3] =	sbarrier.arrive $0xFFFF;
	s2 =	simm.s32 @!p0 $0x1C09  }
0x9b: {  	[timem:s3], [sflag:s2] =	dma.local @!p0 [hbm:s0], s1  }
0x9c: {  	s0 =	simm.s32 @!p0 $0x9  }
0x9d: {  	_ =	swait.ge @!p0 [sflag:s0], s1  }
0x9e: {  	s1 =	ssub.s32 @!p0 $0x0, s1;
	[sflag:s0] =	ssyncset.done @!p0 $0x0  }
0x9f: {  	[sflag:s0] =	ssyncadd.s32 @!p0 s1  }
0xa0: {  	[bflag:$0x3] =	sbarrier.arrive $0xFFFF  }
0xa1: {  	_ =	shalt  }

// kernel: kernel.9.cloned.1.call-start
scs
__scs_entry_jumppad:
0x0: {  	(pc) =	sbr.rel $0x88, $3  }
0x1: {  	(tag) =	ssettag $0x0;
	lr =	simm.s32 $0x1  }
0x2: {  	[smem:$0x3F93] =	sst lr;
	_ =	strace $0xD0000000  }
0x3: {  	_ = 	snop  }
0x4: {  	_ = 	snop  }
0x5: {  	_ = 	snop  }
0x6: {  	_ = 	snop  }
0x7: {  	_ = 	snop  }
__scs_overlays_trampoline_lowered:
0x8: {  	[smem:$0x3FA2] =	sst s0  }
0x9: {  	[smem:$0x3FA3] =	sst s1  }
0xa: {  	[smem:$0x3FA4] =	sst s2  }
0xb: {  	[smem:$0x3FA5] =	sst s3  }
0xc: {  	[smem:$0x3FA6] =	sst s4  }
0xd: {  	[smem:$0x3FA7] =	sst s5  }
0xe: {  	[smem:$0x3FA8] =	sst s6  }
0xf: {  	[smem:$0x3FA9] =	sst s7  }
0x10: {  	[smem:$0x3FAA] =	sst s8  }
0x11: {  	[smem:$0x3FAB] =	sst s9;
	s0 =	simm.s32 @!p0 $0x0  }
0x12: {  	s1 =	sld [smem:$0x3F91];
	s0 =	simm.s32 @p0 $0x1  }
0x13: {  	[smem:$0x3FAC] =	sst s0;
	s0 =	simm.s32 @!p1 $0x0  }
0x14: {  	s2 =	sld [smem:$0x3F90];
	s0 =	simm.s32 @p1 $0x1  }
0x15: {  	[smem:$0x3FAD] =	sst s0;
	s0 =	simm.s32 @!p2 $0x0  }
0x16: {  	s3 =	sld [smem:$0x3FDB];
	s0 =	simm.s32 @p2 $0x1  }
0x17: {  	s4 =	simm.s32 $0x1BF5;
	[smem:$0x3FAF] =	sst s0  }
0x18: {  	s0 =	sld [smem:$0x3F92];
	_ =	swait.ge [sflag:s4], $0x0  }
0x19: {  	s7 =	sld [smem:$0x3F93]  }
0x1a: {  	s8 =	sadd.s32 $0xFFFFE003, lr  }
0x1b: {  	s9 =	sadd.s32 $0xFFFFFEF7, lr;
	s5 =	simm.s32 $0xFFFFFFFF;
	p2 =	slt.u32 s8, $0xFFFFF086  }
0x1c: {  	p1 =	slt.u32 s9, $0xF7A;
	s5 =	simm.s32 @!p2 $0x0  }
0x1d: {  	s5 =	simm.s32 @p1 $0x1;
	p0 =	seq.s32 s7, s2  }
0x1e: {  	s7 =	smul.u32 @!p0 $0xF7A, s2;
	p2 =	seq.s32 @!p0 s5, $0x0  }
0x1f: {  	s9 =	smul.u32 $0xF7A, s1;
	s8 =	simm.s32 @!p0 $0x1BF5;
	p2 =	por !p2, p0  }
0x20: {  	[sflag:s8] =	ssyncset.s32 @!p0 $0xFFFFF086;
	s6 =	sadd.s32 @!p0 s3, s7;
	s7 =	simm.s32 @!p0 $0x108  }
0x21: {  	s3 =	sadd.s32 s3, s9;
	s6 =	sadd.s32 @!p0 $0x88, s6;
	s7 =	simm.s32 @p2 $0x1082  }
0x22: {  	[simem:s7], [sflag:s8] =	dma.local @!p0 [hbm:s6], $0xF7A  }
0x23: {  	s9 =	sor.u32 $0xD0000000, s2;
	s6 =	simm.s32 $0x108;
	_ =	swait.ge @!p0 [sflag:s8], $0x0  }
0x24: {  	s3 =	sadd.s32 $0x88, s3;
	s6 =	simm.s32 @!p1 $0x1082;
	[sflag:s4] =	ssyncset.s32 $0xFFFFF086  }
0x25: {  	[simem:s6], [sflag:s4] =	dma.local [hbm:s3], $0xF7A  }
0x26: {  	[smem:$0x3F93] =	sst s1;
	(tag) =	ssettag s2;
	_ =	strace s9  }
0x27: {  	s1 =	sld [smem:$0x3FA3]  }
0x28: {  	s2 =	sld [smem:$0x3FA4]  }
0x29: {  	s4 =	sld [smem:$0x3FA6]  }
0x2a: {  	p0 =	seq.s32 s5, $0x0;
	s5 =	sld [smem:$0x3FA7]  }
0x2b: {  	s6 =	sld [smem:$0x3FA8]  }
0x2c: {  	s7 =	sld [smem:$0x3FA9]  }
0x2d: {  	s3 =	simm.s32 $0x108;
	s8 =	sld [smem:$0x3FAA]  }
0x2e: {  	s3 =	simm.s32 @!p0 $0x1082;
	s9 =	sld [smem:$0x3FAB]  }
0x2f: {  	lr =	sadd.s32 s0, s3;
	s0 =	sld [smem:$0x3FA2]  }
0x30: {  	s3 =	sld [smem:$0x3FA5]  }
0x31: {  	[smem:$0x3FAE] =	sst s10  }
0x32: {  	s10 =	sld [smem:$0x3FAC];
	_ =	sdelay $0x3  }
0x33: {  	p0 =	seq.s32 s10, $0x1;
	s10 =	sld [smem:$0x3FAE];
	_ =	sdelay $0x3  }
0x34: {  	[smem:$0x3FAE] =	sst s10  }
0x35: {  	s10 =	sld [smem:$0x3FAD];
	_ =	sdelay $0x3  }
0x36: {  	p1 =	seq.s32 s10, $0x1;
	s10 =	sld [smem:$0x3FAE];
	_ =	sdelay $0x3  }
0x37: {  	[smem:$0x3FAE] =	sst s10  }
0x38: {  	s10 =	sld [smem:$0x3FAF]  }
0x39: {  	_ = 	snop;
	(pc) =	sbr.ind lr, $3  }
0x3a: {  	_ = 	snop  }
0x3b: {  	_ = 	snop  }
0x3c: {  	p2 =	seq.s32 s10, $0x1;
	s10 =	sld [smem:$0x3FAE]  }
0x3d: {  	_ =	shalt  }
0x3e: {  	_ =	shalt  }
0x3f: {  	_ =	shalt  }
0x40: {  	_ =	shalt  }
0x41: {  	_ =	shalt  }
0x42: {  	_ =	shalt  }
0x43: {  	_ =	shalt  }
0x44: {  	_ =	shalt  }
0x45: {  	_ =	shalt  }
0x46: {  	_ =	shalt  }
0x47: {  	_ =	shalt  }
0x48: {  	_ =	shalt  }
0x49: {  	_ =	shalt  }
0x4a: {  	_ =	shalt  }
0x4b: {  	_ =	shalt  }
0x4c: {  	_ =	shalt  }
0x4d: {  	_ =	shalt  }
0x4e: {  	_ =	shalt  }
0x4f: {  	_ =	shalt  }
0x50: {  	_ =	shalt  }
0x51: {  	_ =	shalt  }
0x52: {  	_ =	shalt  }
0x53: {  	_ =	shalt  }
0x54: {  	_ =	shalt  }
0x55: {  	_ =	shalt  }
0x56: {  	_ =	shalt  }
0x57: {  	_ =	shalt  }
0x58: {  	_ =	shalt  }
0x59: {  	_ =	shalt  }
0x5a: {  	_ =	shalt  }
0x5b: {  	_ =	shalt  }
0x5c: {  	_ =	shalt  }
0x5d: {  	_ =	shalt  }
0x5e: {  	_ =	shalt  }
0x5f: {  	_ =	shalt  }
0x60: {  	_ =	shalt  }
0x61: {  	_ =	shalt  }
0x62: {  	_ =	shalt  }
0x63: {  	_ =	shalt  }
0x64: {  	_ =	shalt  }
0x65: {  	_ =	shalt  }
0x66: {  	_ =	shalt  }
0x67: {  	_ =	shalt  }
0x68: {  	_ =	shalt  }
0x69: {  	_ =	shalt  }
0x6a: {  	_ =	shalt  }
0x6b: {  	_ =	shalt  }
0x6c: {  	_ =	shalt  }
0x6d: {  	_ =	shalt  }
0x6e: {  	_ =	shalt  }
0x6f: {  	_ =	shalt  }
0x70: {  	_ =	shalt  }
0x71: {  	_ =	shalt  }
0x72: {  	_ =	shalt  }
0x73: {  	_ =	shalt  }
0x74: {  	_ =	shalt  }
0x75: {  	_ =	shalt  }
0x76: {  	_ =	shalt  }
0x77: {  	_ =	shalt  }
0x78: {  	_ =	shalt  }
0x79: {  	_ =	shalt  }
0x7a: {  	_ =	shalt  }
0x7b: {  	_ =	shalt  }
0x7c: {  	_ =	shalt  }
0x7d: {  	_ =	shalt  }
0x7e: {  	_ =	shalt  }
0x7f: {  	_ =	shalt  }
0x80: {  	_ =	shalt  }
0x81: {  	_ =	shalt  }
0x82: {  	_ =	shalt  }
0x83: {  	_ =	shalt  }
0x84: {  	_ =	shalt  }
0x85: {  	_ =	shalt  }
0x86: {  	_ =	shalt  }
0x87: {  	_ =	shalt  }
.Lfunc_end0:
.L_simem_size_0:
called_computation.1_lowered:
.L_overlay_start_0:
0x88: {  	s2 =	sld [smem:$0x3FD9]  }
0x89: {  	s3 =	sld [smem:$0x3FFE];
	_ =	sdelay $0x1  }
0x8a: {  	s1 =	srdreg.scid  }
0x8b: {  	s0 =	sand.u32 $0x1, s1  }
0x8c: {  	s14 =	sshll.u32 s0, $0xA;
	s2 =	sadd.s32 s3, s2  }
0x8d: {  	s2 =	sadd.s32 s2, s14  }
0x8e: {  	[smem:$0x3FBA] =	sst s2  }
0x8f: {  	_ = 	snop  }
0x90: {  	s2 =	sld [smem:$0x3FD0];
	_ =	sdelay $0x2  }
0x91: {  	s15 =	simm.s32 $0xA;
	s4 =	simm.s32 $0x10  }
0x92: {  	[smem:s4], [sflag:s15] =	dma.local [hbm:s2], $0x1  }
0x93: {  	_ =	swait.eq [sflag:s15], $0x1  }
0x94: {  	[sflag:s15] =	ssyncset.done $0x0  }
0x95: {  	[sflag:s15] =	ssyncadd.s32 $0xFFFFFFFF  }
0x96: {  	s16 =	sld [smem:$0x11];
	(tm) =	ssettm $0x1  }
0x97: {  	s17 =	sld [smem:$0x3FFB];
	_ =	sdelay $0x3  }
0x98: {  	_ =	strace s17  }
0x99: {  	s3 =	sld [smem:$0x3FFC];
	_ =	sdelay $0x3  }
0x9a: {  	_ =	strace s3  }
0x9b: {  	s3 =	sld [smem:$0x3FFD];
	_ =	sdelay $0x3  }
0x9c: {  	_ =	strace s3  }
0x9d: {  	_ =	strace $0x8FFFFFFF  }
0x9e: {  	s18 =	sld [smem:$0x3FDB];
	_ =	sdelay $0x1  }
0x9f: {  	s19 =	simm.s32 $_scs_section_size  }
0xa0: {  	s5 =	simm.s32 $_size__tile_overlayer_lowered;
	s6 =	simm.s32 $_tile_overlayer_lowered  }
0xa1: {  	s22 =	simm.s32 $0x1BFF;
	s21 =	sshll.u32 s6, $0x1;
	s3 =	sadd.s32 s19, s18  }
0xa2: {  	s7 =	simm.s32 $0x0;
	s20 =	sshll.u32 s5, $0x1;
	s5 =	sadd.s32 s21, s3  }
0xa3: {  	[timem:s7], [sflag:s22] =	dma.local [hbm:s5], s20  }
0xa4: {  	_ =	swait.ge [sflag:s22], s20  }
0xa5: {  	s4 =	ssub.s32 $0x0, s20;
	[sflag:s22] =	ssyncset.done $0x0  }
0xa6: {  	[sflag:s22] =	ssyncadd.s32 s4;
	_ =	sdelay $0x1  }
0xa7: {  	s23 =	simm.s32 $0x1B8B  }
0xa8: {  	_ =	swait.ge [sflag:s23], $0x1  }
0xa9: {  	[sflag:s23] =	ssyncset.done $0x0  }
0xaa: {  	s25 =	simm.s32 $0x1B8E;
	s24 =	sld [smem:$0x3FFE];
	[sflag:s23] =	ssyncadd.s32 $0xFFFFFFFF  }
0xab: {  	s26 =	simm.s32 $execute0_lowered;
	[smem:$0x3FD2] =	sst s25  }
0xac: {  	s5 =	sshll.u32 s26, $0x1;
	_ =	strace $0x80000049;
	[dreg:$0x1] =	wrdreg $0xFFFFFFFF  }
0xad: {  	s28 =	simm.s32 $_size_execute0_lowered;
	s3 =	sadd.s32 s3, s5;
	[dreg:$0x0] =	wrdreg $0x0  }
0xae: {  	s5 =	sshll.u32 s28, $0x1;
	[dreg:$0x2] =	wrdreg s3  }
0xaf: {  	[dreg:$0x3] =	wrdreg s5  }
0xb0: {  	[dreg:$0x4] =	wrdreg $0xC0  }
0xb1: {  	_ =	task [dreg:s7], $0x5FFFF  }
0xb2: {  	[dreg:$0x1] =	wrdreg $0xFFFFFFFF  }
0xb3: {  	[dreg:$0x0] =	wrdreg $0x60  }
0xb4: {  	[dreg:$0x2] =	wrdreg s16  }
0xb5: {  	[dreg:$0x3] =	wrdreg s24  }
0xb6: {  	[dreg:$0x4] =	wrdreg $0xB8000  }
0xb7: {  	[dreg:$0x5] =	wrdreg $0x9  }
0xb8: {  	_ =	task.clear_ibuf [dreg:s7], $0x6FFFF;
	_ =	strace $0x90000049  }
0xb9: {  	s29 =	simm.s32 $0x9;
	_ =	strace $0x8000004B  }
0xba: {  	_ =	swait.ge [sflag:s29], $0x1  }
0xbb: {  	[sflag:s29] =	ssyncadd.s32 $0xFFFFFFFF  }
0xbc: {  	_ =	strace $0x9000004B  }
0xbd: {  	_ =	sfence  }
0xbe: {  	s30 =	sld [smem:$0x0];
	_ =	sdelay $0x2  }
0xbf: {  	s31 =	sshll.u32 s1, $0xD;
	s1 =	sshrl.u32 s1, $0x2  }
0xc0: {  	s3 =	sand.u32 $0x4000, s31;
	s1 =	sadd.s32 s1, s30  }
0xc1: {  	s0 =	sor.u32 s3, s0;
	s1 =	sshll.u32 s1, $0x11  }
0xc2: {  	s0 =	sor.u32 s1, s0  }
0xc3: {  	s0 =	sadd.s32 $0x8F2B, s0  }
0xc4: {  	[sflag:s0] =	ssyncadd.remote.s32 $0x1  }
0xc5: {  	_ =	sfence.sel $0xFFFF  }
0xc6: {  	[dreg:$0x0] =	wrdreg $0xFFFFFFFF;
	(pc) =	sbr.abs _section_cstart, $3  }
0xc7: {  	[dreg:$0x1] =	wrdreg $0xFFFFFFFF  }
0xc8: {  	_ =	task.clear_ibuf [dreg:s7], $0x2FFFF;
	_ =	strace $0x9FFFFFFF  }
0xc9: {  	(tm) =	ssettm $0x7FFFFFFF  }
tec
execute0_lowered:
.L_overlay_start_1:
0x0: {  	(tag) =	ssettag $0x1  }
0x1: {  	s0 =	rddreg [dreg:$0x0]  }
0x2: {  	s1 =	srdreg.scid;
	s2 =	rddreg [dreg:$0x1]  }
0x3: {  	s3 =	rddreg [dreg:$0x2];
	s22 =	stileid.u32  }
0x4: {  	s4 =	simm.s32 $0x0;
	s16 =	simm.s32 $0x9;
	s18 =	simm.s32 $0x70  }
0x5: {  	s19 =	simm.s32 $0x1000;
	s28 =	simm.s32 $0x8000;
	s29 =	simm.s32 $0x2  }
0x6: {  	s30 =	simm.s32 $0x4;
	s31 =	simm.s32 $0x3;
	s17 =	simm.s32 $0x6  }
0x7: {  	s1 =	sand.u32 $0x1, s1;
	[smem:$0x7FF] =	sst s4;
	s23 =	smul.u32 $0x4F000, s22  }
0x8: {  	s6 =	sadd.s32 $0x21200, s2;
	s10 =	sadd.s32 $0x23A00, s2;
	s24 =	smul.u32 $0x2780, s22  }
0x9: {  	p0 =	sne.s32 s22, $0xF;
	p2 =	seq.s32 s22, $0xF;
	s13 =	smul.u32 $0x3C00, s22  }
0xa: {  	s14 =	sadd.s32 $0x25080, s0;
	s5 =	sshll.u32 s1, $0x4;
	_ =	strace $0x8000004A  }
0xb: {  	s8 =	ssub.s32 $0x2, s1;
	p1 =	seq.s32 s1, $0x0;
	s12 =	smul.u32 $0x3C000, s1  }
0xc: {  	[dreg:$0x6] =	wrdreg s14;
	s14 =	sadd.s32 $0x138800, s3;
	s5 =	sor.u32 s22, s5  }
0xd: {  	s9 =	sshrl.u32 s8, $0x1;
	p0 =	por !p1, !p0;
	p2 =	por !p1, !p2  }
0xe: {  	s15 =	sadd.s32 s0, s24;
	s7 =	smul.u32 $0x3C00, s5;
	s5 =	sadd.s32 $0x3200, s2  }
0xf: {  	s2 =	sadd.s32 $0x4B200, s2;
	s20 =	ssub.s32 s8, s9;
	p0 =	por !p0, !p0  }
0x10: {  	p2 =	por !p2, !p2;
	s8 =	sshrl.u32 s23, $0x2;
	[dreg:$0x7] =	wrdreg s15  }
0x11: {  	s12 =	sadd.s32 s13, s12;
	s9 =	sadd.s32 s8, s3;
	s8 =	sadd.s32 $0x128400, s3  }
0x12: {  	s2 =	smov.u32 @p1 s10;
	s25 =	sadd.s32 $0x78400, s12;
	p1 =	por p2, p0  }
0x13: {  	s15 =	sadd.s32 $0x400, s12;
	s7 =	sshrl.u32 s7, $0x3;
	s2 =	sadd.s32 s2, s24  }
0x14: {  	s26 =	sshrl.u32 s25, $0x3;
	p1 =	seq.s32 @!p1 s1, $0x0;
	s11 =	sadd.s32 s5, s7  }
0x15: {  	s7 =	smax.u32 s20, $0x1;
	[dreg:$0x9] =	wrdreg s2;
	s2 =	sadd.s32 s26, s5  }
0x16: {  	p1 =	por @!p0 p1, p2;
	p2 =	por !p2, p0;
	[dreg:$0x4] =	wrdreg s11  }
0x17: {  	s26 =	simm.s32 $0x1;
	s20 =	simm.s32 $0x7;
	[dreg:$0x8] =	wrdreg s7  }
.Ltmp0:
0x18: {  	s21 =	sadd.s32 $0xF000, s11;
	[dreg:$0xa] =	wrdreg s2;
	(pc) =	sbr.rel .LBB2_1-.Ltmp0, $4  }
0x19: {  	p1 =	por p1, p0;
	s24 =	sshrl.u32 @!p2 s8, $0x3;
	s25 =	sshrl.u32 @!p2 s14, $0x3  }
0x1a: {  	s8 =	simm.s32 $0x8;
	s2 =	simm.s32 $0x0;
	s1 =	sshll.u32 @!p1 s22, $0x6  }
0x1b: {  	[dreg:$0x5] =	wrdreg s21;
	s21 =	simm.s32 $0x4800;
	s1 =	sor.u32 @!p1 $0x1C09, s1  }
0x1c: {  	s23 =	sshrl.u32 @!p1 s9, $0x3;
	[dreg:$0xb] =	wrdreg s1;
	s1 =	simm.s32 $0x5  }
.LBB2_3:
0x1d: {  	_ =	swait.ge [sflag:s31], $0x3800  }
0x1e: {  	[sflag:s31] =	ssyncset.done $0x0  }
0x1f: {  	s7 =	sor.u32 $0x800, s13;
	[sflag:s31] =	ssyncadd.s32 $0xFFFFC800  }
0x20: {  	[spmem:s3] =	stream.indirect.scatter.add.f32 [tilespmem:s28], [sflag:$0x6], $0x80, s7, s18, $0xb8;
	[tilespmem:$0x1F400] =	vst v63  }
0x21: {  	_ =	swait.ge [sflag:s1], $0x3800  }
0x22: {  	[sflag:s1] =	ssyncset.done $0x0  }
0x23: {  	[sflag:s1] =	ssyncadd.s32 $0xFFFFC800  }
.LBB2_5:
0x24: {  	_ =	swait.ge [sflag:s17], $0x3800  }
0x25: {  	[sflag:s17] =	ssyncset.done $0x0  }
0x26: {  	s22 =	stileid.u32;
	[sflag:s17] =	ssyncadd.s32 $0xFFFFC800  }
0x27: {  	s7 =	sshll.u32 s22, $0x6;
	[bflag:$0x0] =	sbarrier.arrive $0xFFFF  }
0x28: {  	s10 =	sshrl.u32 s9, $0x3;
	s7 =	sor.u32 $0x1C09, s7;
	s11 =	rddreg [dreg:$0x9]  }
0x29: {  	[hbm:s11], [sflag:s7] =	dma.local [spmem:s10], $0x2780  }
0x2a: {  	_ =	swait.ge [sflag:s16], $0x2780  }
0x2b: {  	s2 =	sadd.s32 $0x1, s2;
	s14 =	rddreg [dreg:$0x8]  }
0x2c: {  	p3 =	sne.s32 s2, s14  }
.Ltmp1:
0x2d: {  	_ = 	snop;
	(pc) =	sbr.rel @!p3 .LBB2_6-.Ltmp1, $3  }
0x2e: {  	_ =	sdelay $0x1  }
0x2f: {  	[sflag:s16] =	ssyncset.done $0x0  }
0x30: {  	[sflag:s16] =	ssyncadd.s32 $0xFFFFD880  }
.LBB2_1:
0x31: {  	s7 =	rddreg [dreg:$0x4]  }
0x32: {  	[tilespmem:s4], [sflag:$0x9] =	stream.linear.gather [hbm4b:s7+s4], $0x300, $0x38;
	[tilespmem:$0x1F400] =	vst v63  }
0x33: {  	_ =	swait.ge [sflag:s16], $0x300  }
0x34: {  	[sflag:s16] =	ssyncset.done $0x0  }
0x35: {  	s10 =	simm.s32 $0x800;
	s13 =	rddreg [dreg:$0x5];
	[sflag:s16] =	ssyncadd.s32 $0xFFFFFD00  }
0x36: {  	[tilespmem:s10], [sflag:$0x9] =	stream.linear.gather [hbm4b:s13+s4], $0x300, $0x38;
	[tilespmem:$0x1F400] =	vst v63  }
0x37: {  	_ =	swait.ge [sflag:s16], $0x300  }
0x38: {  	[sflag:s16] =	ssyncset.done $0x0  }
0x39: {  	[sflag:s16] =	ssyncadd.s32 $0xFFFFFD00  }
0x3a: {  	[tilespmem:s19], [sflag:$0x1] =	stream.indirect.gather [hbm4b:s0+s18], $0x80, s4, s18, $0xb8;
	[tilespmem:$0x1F400] =	vst v63  }
0x3b: {  	s14 =	simm.s32 $0x80;
	s7 =	rddreg [dreg:$0xb]  }
0x3c: {  	[tilespmem:s21], [sflag:$0x2] =	stream.indirect.gather [hbm4b:s0+s18], $0x80, s14, s18, $0xb8;
	[tilespmem:$0x1F400] =	vst v63  }
0x3d: {  	[spmem:s23], [sflag:s7] =	dma.local @!p1 [hbm:s6], $0x2780  }
0x3e: {  	s7 =	simm.s32 @!p1 $0x9  }
0x3f: {  	_ =	swait.ge @!p1 [sflag:s7], $0x2780  }
0x40: {  	s11 =	simm.s32 @!p2 $0x9;
	[sflag:s7] =	ssyncset.done @!p1 $0x0  }
0x41: {  	s10 =	rddreg [dreg:$0x6];
	[sflag:s7] =	ssyncadd.s32 @!p1 $0xFFFFD880;
	s7 =	simm.s32 @!p2 $0x1FC9  }
0x42: {  	[spmem:s24], [sflag:s7] =	dma.local @!p2 [hbm:s10], $0x2080  }
0x43: {  	_ =	swait.ge @!p2 [sflag:s11], $0x2080  }
0x44: {  	[sflag:s11] =	ssyncset.done @!p2 $0x0  }
0x45: {  	[sflag:s11] =	ssyncadd.s32 @!p2 $0xFFFFDF80  }
0x46: {  	[spmem:s25], [sflag:s7] =	dma.local @!p2 [hbm:s6], $0x700  }
0x47: {  	s7 =	sshll.u32 @p0 s22, $0x6;
	_ =	swait.ge @!p2 [sflag:s11], $0x700  }
0x48: {  	s7 =	sor.u32 @p0 $0x1C09, s7;
	[sflag:s11] =	ssyncset.done @!p2 $0x0  }
0x49: {  	s10 =	rddreg [dreg:$0x7];
	[sflag:s11] =	ssyncadd.s32 @!p2 $0xFFFFF900;
	s11 =	sshrl.u32 @p0 s9, $0x3  }
0x4a: {  	[spmem:s11], [sflag:s7] =	dma.local @p0 [hbm:s10], $0x2780  }
0x4b: {  	s7 =	simm.s32 @p0 $0x9  }
0x4c: {  	_ =	swait.ge @p0 [sflag:s7], $0x2780  }
0x4d: {  	[sflag:s7] =	ssyncset.done @p0 $0x0  }
0x4e: {  	[sflag:s7] =	ssyncadd.s32 @p0 $0xFFFFD880  }
0x4f: {  	[bflag:$0x0] =	sbarrier.arrive $0xFFFF  }
0x50: {  	s11 =	simm.s32 $0x0;
	s7 =	simm.s32 $0x1;
	s14 =	rddreg [dreg:$0xa]  }
.LBB2_2:
0x51: {  	p3 =	seq.s32 s11, $0x3800  }
0x52: {  	s13 =	sadd.s32 @!p3 s11, s15  }
0x53: {  	s12 =	sand.u32 $0x1, s7;
	s13 =	sshrl.u32 @!p3 s13, $0x3  }
0x54: {  	s10 =	sshll.u32 @!p3 s12, $0xA;
	s22 =	simm.s32 @!p3 $0x0;
	s13 =	sadd.s32 @!p3 s5, s13  }
0x55: {  	[tilespmem:s10], [sflag:$0x7] =	stream.linear.gather @!p3 [hbm4b:s13+s22], $0x300, $0x38;
	[tilespmem:$0x1F400] =	vst v63  }
0x56: {  	s10 =	sor.u32 @!p3 $0x800, s10  }
0x57: {  	[tilespmem:s10], [sflag:$0x8] =	stream.linear.gather @!p3 [hbm4b:s14+s22], $0x300, $0x38;
	[tilespmem:$0x1F400] =	vst v63  }
0x58: {  	_ =	swait.ge [sflag:s26], $0x3800  }
0x59: {  	s10 =	sand.u32 $0x400, s11;
	p3 =	seq.s32 s11, $0x0;
	[sflag:s26] =	ssyncset.done $0x0  }
0x5a: {  	s22 =	sor.u32 $0x800, s10;
	s13 =	simm.s32 @!p3 $0x6;
	[sflag:s26] =	ssyncadd.s32 $0xFFFFC800  }
0x5b: {  	[spmem:s3] =	stream.indirect.scatter.add.f32 [tilespmem:s19], [sflag:$0x4], $0x80, s22, s18, $0xb8;
	[tilespmem:$0x1F400] =	vst v63  }
0x5c: {  	s22 =	smov.u32 s10;
	_ =	swait.ge @!p3 [sflag:s13], $0x3800  }
0x5d: {  	s22 =	simm.s32 @p3 $0x0;
	[sflag:s13] =	ssyncset.done @!p3 $0x0  }
0x5e: {  	s22 =	sadd.s32 $0x100, s22;
	[sflag:s13] =	ssyncadd.s32 @!p3 $0xFFFFC800  }
0x5f: {  	[tilespmem:s28], [sflag:$0x3] =	stream.indirect.gather [hbm4b:s0+s18], $0x80, s22, s18, $0xb8;
	[tilespmem:$0x1F400] =	vst v63  }
0x60: {  	_ =	swait.ge [sflag:s29], $0x3800  }
0x61: {  	[sflag:s29] =	ssyncset.done $0x0  }
0x62: {  	s22 =	sadd.s32 $0x880, s10;
	[sflag:s29] =	ssyncadd.s32 $0xFFFFC800  }
0x63: {  	[spmem:s3] =	stream.indirect.scatter.add.f32 [tilespmem:s21], [sflag:$0x5], $0x80, s22, s18, $0xb8;
	[tilespmem:$0x1F400] =	vst v63  }
0x64: {  	_ =	swait.ge [sflag:s30], $0x3800  }
0x65: {  	[sflag:s30] =	ssyncset.done $0x0  }
0x66: {  	s22 =	sor.u32 $0x180, s10;
	[sflag:s30] =	ssyncadd.s32 $0xFFFFC800  }
0x67: {  	[tilespmem:s19], [sflag:$0x1] =	stream.indirect.gather [hbm4b:s0+s18], $0x80, s22, s18, $0xb8;
	[tilespmem:$0x1F400] =	vst v63  }
0x68: {  	_ =	swait.ge [sflag:s31], $0x3800  }
0x69: {  	[sflag:s31] =	ssyncset.done $0x0  }
0x6a: {  	s22 =	sadd.s32 $0x900, s10;
	[sflag:s31] =	ssyncadd.s32 $0xFFFFC800  }
0x6b: {  	[spmem:s3] =	stream.indirect.scatter.add.f32 [tilespmem:s28], [sflag:$0x6], $0x80, s22, s18, $0xb8;
	[tilespmem:$0x1F400] =	vst v63  }
0x6c: {  	_ =	swait.ge [sflag:s1], $0x3800  }
0x6d: {  	[sflag:s1] =	ssyncset.done $0x0  }
0x6e: {  	s22 =	sor.u32 $0x200, s10;
	[sflag:s1] =	ssyncadd.s32 $0xFFFFC800  }
0x6f: {  	[tilespmem:s21], [sflag:$0x2] =	stream.indirect.gather [hbm4b:s0+s18], $0x80, s22, s18, $0xb8;
	[tilespmem:$0x1F400] =	vst v63  }
0x70: {  	_ =	swait.ge [sflag:s26], $0x3800  }
0x71: {  	[sflag:s26] =	ssyncset.done $0x0  }
0x72: {  	s22 =	sor.u32 $0x980, s10;
	[sflag:s26] =	ssyncadd.s32 $0xFFFFC800  }
0x73: {  	[spmem:s3] =	stream.indirect.scatter.add.f32 [tilespmem:s19], [sflag:$0x4], $0x80, s22, s18, $0xb8;
	[tilespmem:$0x1F400] =	vst v63  }
0x74: {  	_ =	swait.ge [sflag:s17], $0x3800  }
0x75: {  	[sflag:s17] =	ssyncset.done $0x0  }
0x76: {  	s13 =	sor.u32 $0x280, s10;
	[sflag:s17] =	ssyncadd.s32 $0xFFFFC800  }
0x77: {  	[tilespmem:s28], [sflag:$0x3] =	stream.indirect.gather [hbm4b:s0+s18], $0x80, s13, s18, $0xb8;
	[tilespmem:$0x1F400] =	vst v63  }
0x78: {  	_ =	swait.ge [sflag:s29], $0x3800  }
0x79: {  	p3 =	sne.s32 s11, $0x3800;
	[sflag:s29] =	ssyncset.done $0x0  }
.Ltmp2:
0x7a: {  	s10 =	sor.u32 $0xA00, s10;
	[sflag:s29] =	ssyncadd.s32 $0xFFFFC800;
	(pc) =	sbr.rel @!p3 .LBB2_3-.Ltmp2, $4  }
0x7b: {  	[spmem:s3] =	stream.indirect.scatter.add.f32 [tilespmem:s21], [sflag:$0x5], $0x80, s10, s18, $0xb8;
	[tilespmem:$0x1F400] =	vst v63  }
0x7c: {  	_ =	swait.ge [sflag:s30], $0x3800  }
0x7d: {  	[sflag:s30] =	ssyncset.done $0x0  }
0x7e: {  	[sflag:s30] =	ssyncadd.s32 $0xFFFFC800  }
0x7f: {  	_ =	swait.ge [sflag:s20], $0x300  }
0x80: {  	[sflag:s20] =	ssyncset.done $0x0  }
0x81: {  	[sflag:s20] =	ssyncadd.s32 $0xFFFFFD00  }
0x82: {  	_ =	swait.ge [sflag:s8], $0x300  }
0x83: {  	[sflag:s8] =	ssyncset.done $0x0  }
0x84: {  	s10 =	sshll.u32 s12, $0xA;
	[sflag:s8] =	ssyncadd.s32 $0xFFFFFD00  }
0x85: {  	[tilespmem:s19], [sflag:$0x1] =	stream.indirect.gather [hbm4b:s0+s18], $0x80, s10, s18, $0xb8;
	[tilespmem:$0x1F400] =	vst v63  }
0x86: {  	_ =	swait.ge [sflag:s31], $0x3800  }
0x87: {  	s11 =	sadd.s32 $0x400, s11;
	[sflag:s31] =	ssyncset.done $0x0  }
0x88: {  	s22 =	sor.u32 $0x800, s13;
	p3 =	sne.s32 s11, $0x3C00;
	[sflag:s31] =	ssyncadd.s32 $0xFFFFC800  }
0x89: {  	[spmem:s3] =	stream.indirect.scatter.add.f32 [tilespmem:s28], [sflag:$0x6], $0x80, s22, s18, $0xb8;
	[tilespmem:$0x1F400] =	vst v63  }
.Ltmp3:
0x8a: {  	_ = 	snop;
	(pc) =	sbr.rel @p3 .LBB2_2-.Ltmp3, $4  }
.Ltmp4:
0x8b: {  	_ =	swait.ge [sflag:s1], $0x3800;
	(pc) =	sbr.rel @!p3 .LBB2_5-.Ltmp4, $4  }
0x8c: {  	s14 =	sadd.s32 $0x80, s14;
	[sflag:s1] =	ssyncset.done $0x0  }
0x8d: {  	s7 =	sadd.s32 $0x1, s7;
	s10 =	sor.u32 $0x80, s10;
	[sflag:s1] =	ssyncadd.s32 $0xFFFFC800  }
0x8e: {  	[tilespmem:s21], [sflag:$0x2] =	stream.indirect.gather [hbm4b:s0+s18], $0x80, s10, s18, $0xb8;
	[tilespmem:$0x1F400] =	vst v63  }
0x8f: {  	_ = 	snop  }
.LBB2_6:
0x90: {  	_ =	sfence.sel $0x180000  }
0x91: {  	[bflag:$0x0] =	sbarrier.arrive $0xFFFF  }
0x92: {  	_ =	strace $0x9000004A  }
0x93: {  	[bflag:$0x2] =	sbarrier.arrive $0xFFFF  }
0x94: {  	p0 =	sne.s32 s22, $0x0;
	s0 =	rddreg [dreg:$0x3]  }
0x95: {  	s0 =	sadd.s32 @!p0 $0x100000, s0  }
0x96: {  	[sflag:s0] =	ssyncadd.tile.s32 @!p0 $0x1;
	_ =	shalt  }
.Lfunc_end2:
_tile_overlayer_lowered:
.L_overlay_start_2:
0x97: {  	(tag) =	ssettag $0x2  }
0x98: {  	s0 =	rddreg [dreg:$0x0];
	s2 =	stileid.u32  }
0x99: {  	s1 =	rddreg [dreg:$0x1];
	p0 =	sne.s32 s2, $0x0  }
0x9a: {  	s3 =	rddreg [dreg:$0x2];
	[bflag:$0x3] =	sbarrier.arrive $0xFFFF;
	s2 =	simm.s32 @!p0 $0x1C09  }
0x9b: {  	[timem:s3], [sflag:s2] =	dma.local @!p0 [hbm:s0], s1  }
0x9c: {  	s0 =	simm.s32 @!p0 $0x9  }
0x9d: {  	_ =	swait.ge @!p0 [sflag:s0], s1  }
0x9e: {  	s1 =	ssub.s32 @!p0 $0x0, s1;
	[sflag:s0] =	ssyncset.done @!p0 $0x0  }
0x9f: {  	[sflag:s0] =	ssyncadd.s32 @!p0 s1  }
0xa0: {  	[bflag:$0x3] =	sbarrier.arrive $0xFFFF  }
0xa1: {  	_ =	shalt  }

</sc_bundles>
